<compile_context>
chip_gen: v7x
topology: tpu7x:2x2x1
jax: 0.10.2.dev20260603
libtpu: 0.0.44.dev20260713+nightly
codegen_flags: <defaults>
</compile_context>

<pallas_src>
import functools

import jax
import jax.numpy as jnp
from jax import lax
from jax.experimental import pallas as pl
from jax.experimental.pallas import tpu as pltpu
from jax.experimental.pallas import tpu_sc as plsc

B, L, V, D = 16384, 50, 1000000, 64
NW = 32
PAIRS = B // 2
PAIRS_PER_W = PAIRS // NW
TOK_PER_PAIR = 2 * L
TOK_PER_W = PAIRS_PER_W * TOK_PER_PAIR
CHUNK = 256
N_CHUNKS = TOK_PER_W // CHUNK

_BV = 32768


def _tc_body(w_ref, e_ref, o_ref):
    o_ref[...] = lax.dot_general(
        w_ref[...], e_ref[...], (((0,), (0,)), ((), ())),
        preferred_element_type=jnp.float32)


def _tc_project(emb, wr):
    embT = emb.T
    grid = (V + _BV - 1) // _BV
    return pl.pallas_call(
        _tc_body,
        grid=(grid,),
        in_specs=[
            pl.BlockSpec((D, 2), lambda i: (0, 0)),
            pl.BlockSpec((D, _BV), lambda i: (0, i)),
        ],
        out_specs=pl.BlockSpec((2, _BV), lambda i: (0, i)),
        out_shape=jax.ShapeDtypeStruct((2, V), jnp.float32),
    )(wr, embT)


def _sc_body(x_hbm, t2_hbm, b_hbm, out_hbm,
             idx_v, buf_v, out_v, b_v, sem):
    wid = lax.axis_index("s") * 2 + lax.axis_index("c")
    pltpu.sync_copy(x_hbm.at[wid], idx_v)
    pltpu.sync_copy(b_hbm, b_v)

    n_grp = N_CHUNKS // 4
    ahead = 3

    def _issue8(g):
        for k in range(4):
            c = g * 4 + k
            pltpu.async_copy(
                t2_hbm.at[idx_v.at[pl.ds(c * CHUNK, CHUNK)]],
                buf_v.at[pl.ds(c * CHUNK, CHUNK)], sem)

    for g in range(ahead):
        _issue8(g)

    def _pipe(g, _):
        @pl.when(g + ahead < n_grp)
        def _():
            _issue8(g + ahead)
        for k in range(4):
            c = g * 4 + k
            pltpu.make_async_copy(
                t2_hbm.at[idx_v.at[pl.ds(c * CHUNK, CHUNK)]],
                buf_v.at[pl.ds(c * CHUNK, CHUNK)], sem).wait()
        return 0
    lax.fori_loop(0, n_grp, _pipe, 0)

    def _tok(j, accs):
        base = j * PAIRS_PER_W
        return tuple(a + buf_v[pl.ds(base + cc * 16, 16)]
                     for cc, a in enumerate(accs))

    accs = lax.fori_loop(
        0, TOK_PER_PAIR, _tok,
        tuple(jnp.zeros((16,), jnp.float32) for _ in range(16)))
    bvec = b_v[...]
    for cc in range(16):
        z = accs[cc] + bvec
        out_v[pl.ds(cc * 16, 16)] = 1.0 / (1.0 + jnp.exp(-z))

    pltpu.sync_copy(out_v, out_hbm.at[pl.ds(wid * PAIRS_PER_W, PAIRS_PER_W)])


@functools.cache
def _sc_pool():
    mesh = plsc.VectorSubcoreMesh(core_axis_name="c", subcore_axis_name="s")
    return pl.kernel(
        _sc_body,
        mesh=mesh,
        out_type=jax.ShapeDtypeStruct((PAIRS,), jnp.float32),
        scratch_types=[
            pltpu.VMEM((TOK_PER_W,), jnp.int32),
            pltpu.VMEM((TOK_PER_W,), jnp.float32),
            pltpu.VMEM((PAIRS_PER_W,), jnp.float32),
            pltpu.VMEM((16,), jnp.float32),
            pltpu.SemaphoreType.DMA,
        ],
    )


def kernel(X, emb, W, b):
    wr = (W.reshape(2, D).T * (1.0 / L)).astype(jnp.float32)
    t2 = _tc_project(emb, wr).reshape(2 * V)
    q = jnp.arange(TOK_PER_W, dtype=jnp.int32)
    par = (q // (L * PAIRS_PER_W)) * V
    xi = (X.astype(jnp.int32)
          .reshape(NW, PAIRS_PER_W, TOK_PER_PAIR)
          .transpose(0, 2, 1)
          .reshape(NW, TOK_PER_W)) + par[None, :]
    b16 = jnp.broadcast_to(b.astype(jnp.float32), (16,))
    return _sc_pool()(xi, t2, b16)

# --- scband reference (transcript-rebuilt; emitter-appended) ---
"""Pipeline reference for scband-simple-model-58755152609320 (READ-ONLY COPY).

The authoritative reference and input builder live on the scoring server;
editing this copy changes nothing except your own understanding.
"""

import jax, jax.numpy as jnp
import numpy as np

B, L, V, D = 16384, 50, 1000000, 64


def setup_inputs(seed: int = 0) -> dict:
    key = jax.random.key(seed)
    k1, k2, k3 = jax.random.split(key, 3)
    X = jax.random.randint(k1, (B, L), 0, V)
    emb = jax.random.normal(k2, (V, D), dtype=jnp.float32) * 0.02
    W = jax.random.normal(k3, (2 * D, 1), dtype=jnp.float32) * 0.05
    b = jnp.zeros((1,), dtype=jnp.float32)
    return {"X": X, "emb": emb, "W": W, "b": b}


def reference(X, emb, W, b):
    # ave_vecs: embedding lookup then mean over tokens per sentence
    vecs = jnp.take(emb, X, axis=0).mean(axis=1)  # [B, D]
    # concat_pairs: concatenate (2i, 2i+1) sentence vectors
    nb, d = vecs.shape
    pairs = vecs.reshape(nb // 2, 2 * d)  # [B/2, 2D]
    # MasterClassifier: linear + sigmoid
    out = jax.nn.sigmoid(pairs @ W + b)  # [B/2, 1]
    return out.squeeze(axis=1)  # [B/2]

if __name__ == "__main__":
    import jax
    _d = setup_inputs()
    print(jax.jit(kernel)(*tuple(_d.values())))

</pallas_src>

<mosaic_0001>
#map = affine_map<(d0, d1) -> (0, 0)>
#map1 = affine_map<(d0, d1) -> (0)>
module attributes {stable_mosaic.version = 14 : i64} {
  func.func @_sc_body(%arg0: i32, %arg1: i32, %arg2: memref<32x25600xi32, #tpu.memory_space<hbm>>, %arg3: memref<2000000xf32, #tpu.memory_space<hbm>>, %arg4: memref<16xf32, #tpu.memory_space<hbm>>, %arg5: memref<8192xf32, #tpu.memory_space<hbm>>, %arg6: memref<25600xi32, #tpu.memory_space<vmem>>, %arg7: memref<25600xf32, #tpu.memory_space<vmem>>, %arg8: memref<256xf32, #tpu.memory_space<vmem>>, %arg9: memref<16xf32, #tpu.memory_space<vmem>>, %arg10: memref<!tpu.dma_semaphore, #tpu.memory_space<semaphore_mem>>) attributes {dimension_semantics = [#tpu.dimension_semantics<core_parallel>, #tpu.dimension_semantics<subcore_parallel>], iteration_bounds = array<i64: 2, 16>, scalar_prefetch = 0 : i64, scratch_operands = 5 : i64, tpu.core_type = #tpu.core_type<sc_vector_subcore>, window_params = [{transform_indices = #map}, {transform_indices = #map1}, {transform_indices = #map1}, {transform_indices = #map1}]} {
    %mul3A = arith.constant 2 : i32
    %mul3A_0 = arith.muli %arg1, %mul3A : i32
    %add3A = arith.addi %mul3A_0, %arg0 : i32
    "tpu.region"() ({
      %run_scoped3A = tpu.sem_alloc : memref<!tpu.dma_semaphore, #tpu.memory_space<semaphore_mem>>
      %dma_start3A_355 = arith.constant 0 : i32
      %dma_start3A_356 = tpu.memref_slice %arg2[%add3A, %dma_start3A_355] : memref<32x25600xi32, #tpu.memory_space<hbm>> -> memref<1x25600xi32, #tpu.memory_space<hbm>>
      %dma_start3A_357 = tpu.memref_squeeze %dma_start3A_356 : memref<1x25600xi32, #tpu.memory_space<hbm>> -> memref<25600xi32, #tpu.memory_space<hbm>>
      %dma_start3A_358 = arith.constant 0 : i32
      %dma_start3A_359 = tpu.memref_slice %arg2[%add3A, %dma_start3A_358] : memref<32x25600xi32, #tpu.memory_space<hbm>> -> memref<1x25600xi32, #tpu.memory_space<hbm>>
      %dma_start3A_360 = tpu.memref_squeeze %dma_start3A_359 : memref<1x25600xi32, #tpu.memory_space<hbm>> -> memref<25600xi32, #tpu.memory_space<hbm>>
      tpu.enqueue_dma source(%dma_start3A_360 : memref<25600xi32, #tpu.memory_space<hbm>>) target(%arg6 : memref<25600xi32, #tpu.memory_space<vmem>>) target_semaphore(%run_scoped3A : memref<!tpu.dma_semaphore, #tpu.memory_space<semaphore_mem>>)
      %dma_wait3A = arith.constant 0 : i32
      %dma_wait3A_361 = tpu.memref_slice %arg2[%add3A, %dma_wait3A] : memref<32x25600xi32, #tpu.memory_space<hbm>> -> memref<1x25600xi32, #tpu.memory_space<hbm>>
      %dma_wait3A_362 = tpu.memref_squeeze %dma_wait3A_361 : memref<1x25600xi32, #tpu.memory_space<hbm>> -> memref<25600xi32, #tpu.memory_space<hbm>>
      %dma_wait3A_363 = arith.constant 0 : i32
      %dma_wait3A_364 = tpu.memref_slice %arg2[%add3A, %dma_wait3A_363] : memref<32x25600xi32, #tpu.memory_space<hbm>> -> memref<1x25600xi32, #tpu.memory_space<hbm>>
      %dma_wait3A_365 = tpu.memref_squeeze %dma_wait3A_364 : memref<1x25600xi32, #tpu.memory_space<hbm>> -> memref<25600xi32, #tpu.memory_space<hbm>>
      tpu.wait_dma2 semaphore(%run_scoped3A : memref<!tpu.dma_semaphore, #tpu.memory_space<semaphore_mem>>) src(%dma_wait3A_365 : memref<25600xi32, #tpu.memory_space<hbm>>) dst(%arg6 : memref<25600xi32, #tpu.memory_space<vmem>>)
      tpu.yield
    }) : () -> ()
    "tpu.region"() ({
      %run_scoped3A = tpu.sem_alloc : memref<!tpu.dma_semaphore, #tpu.memory_space<semaphore_mem>>
      tpu.enqueue_dma source(%arg4 : memref<16xf32, #tpu.memory_space<hbm>>) target(%arg9 : memref<16xf32, #tpu.memory_space<vmem>>) target_semaphore(%run_scoped3A : memref<!tpu.dma_semaphore, #tpu.memory_space<semaphore_mem>>)
      tpu.wait_dma2 semaphore(%run_scoped3A : memref<!tpu.dma_semaphore, #tpu.memory_space<semaphore_mem>>) src(%arg4 : memref<16xf32, #tpu.memory_space<hbm>>) dst(%arg9 : memref<16xf32, #tpu.memory_space<vmem>>)
      tpu.yield
    }) : () -> ()
    %dma_start3A = arith.constant 0 : i32
    %dma_start3A_1 = tpu.memref_slice %arg7[%dma_start3A] : memref<25600xf32, #tpu.memory_space<vmem>> -> memref<256xf32, #tpu.memory_space<vmem>>
    %dma_start3A_2 = arith.constant 0 : i32
    %dma_start3A_3 = tpu.memref_slice %arg6[%dma_start3A_2] : memref<25600xi32, #tpu.memory_space<vmem>> -> memref<256xi32, #tpu.memory_space<vmem>>
    %dma_start3A_4 = arith.constant 0 : i32
    %dma_start3A_5 = tpu.memref_slice %arg3[%dma_start3A_4] : memref<2000000xf32, #tpu.memory_space<hbm>> -> memref<2000000xf32, #tpu.memory_space<hbm>>
    tpu.enqueue_indirect_dma source(%dma_start3A_5 : memref<2000000xf32, #tpu.memory_space<hbm>>) target(%dma_start3A_1 : memref<256xf32, #tpu.memory_space<vmem>>) offsets(%dma_start3A_3 : memref<256xi32, #tpu.memory_space<vmem>>) semaphore(%arg10 : memref<!tpu.dma_semaphore, #tpu.memory_space<semaphore_mem>>)
    %dma_start3A_6 = arith.constant 256 : i32
    %dma_start3A_7 = tpu.memref_slice %arg7[%dma_start3A_6] : memref<25600xf32, #tpu.memory_space<vmem>> -> memref<256xf32, #tpu.memory_space<vmem>>
    %dma_start3A_8 = arith.constant 256 : i32
    %dma_start3A_9 = tpu.memref_slice %arg6[%dma_start3A_8] : memref<25600xi32, #tpu.memory_space<vmem>> -> memref<256xi32, #tpu.memory_space<vmem>>
    %dma_start3A_10 = arith.constant 0 : i32
    %dma_start3A_11 = tpu.memref_slice %arg3[%dma_start3A_10] : memref<2000000xf32, #tpu.memory_space<hbm>> -> memref<2000000xf32, #tpu.memory_space<hbm>>
    tpu.enqueue_indirect_dma source(%dma_start3A_11 : memref<2000000xf32, #tpu.memory_space<hbm>>) target(%dma_start3A_7 : memref<256xf32, #tpu.memory_space<vmem>>) offsets(%dma_start3A_9 : memref<256xi32, #tpu.memory_space<vmem>>) semaphore(%arg10 : memref<!tpu.dma_semaphore, #tpu.memory_space<semaphore_mem>>)
    %dma_start3A_12 = arith.constant 512 : i32
    %dma_start3A_13 = tpu.memref_slice %arg7[%dma_start3A_12] : memref<25600xf32, #tpu.memory_space<vmem>> -> memref<256xf32, #tpu.memory_space<vmem>>
    %dma_start3A_14 = arith.constant 512 : i32
    %dma_start3A_15 = tpu.memref_slice %arg6[%dma_start3A_14] : memref<25600xi32, #tpu.memory_space<vmem>> -> memref<256xi32, #tpu.memory_space<vmem>>
    %dma_start3A_16 = arith.constant 0 : i32
    %dma_start3A_17 = tpu.memref_slice %arg3[%dma_start3A_16] : memref<2000000xf32, #tpu.memory_space<hbm>> -> memref<2000000xf32, #tpu.memory_space<hbm>>
    tpu.enqueue_indirect_dma source(%dma_start3A_17 : memref<2000000xf32, #tpu.memory_space<hbm>>) target(%dma_start3A_13 : memref<256xf32, #tpu.memory_space<vmem>>) offsets(%dma_start3A_15 : memref<256xi32, #tpu.memory_space<vmem>>) semaphore(%arg10 : memref<!tpu.dma_semaphore, #tpu.memory_space<semaphore_mem>>)
    %dma_start3A_18 = arith.constant 768 : i32
    %dma_start3A_19 = tpu.memref_slice %arg7[%dma_start3A_18] : memref<25600xf32, #tpu.memory_space<vmem>> -> memref<256xf32, #tpu.memory_space<vmem>>
    %dma_start3A_20 = arith.constant 768 : i32
    %dma_start3A_21 = tpu.memref_slice %arg6[%dma_start3A_20] : memref<25600xi32, #tpu.memory_space<vmem>> -> memref<256xi32, #tpu.memory_space<vmem>>
    %dma_start3A_22 = arith.constant 0 : i32
    %dma_start3A_23 = tpu.memref_slice %arg3[%dma_start3A_22] : memref<2000000xf32, #tpu.memory_space<hbm>> -> memref<2000000xf32, #tpu.memory_space<hbm>>
    tpu.enqueue_indirect_dma source(%dma_start3A_23 : memref<2000000xf32, #tpu.memory_space<hbm>>) target(%dma_start3A_19 : memref<256xf32, #tpu.memory_space<vmem>>) offsets(%dma_start3A_21 : memref<256xi32, #tpu.memory_space<vmem>>) semaphore(%arg10 : memref<!tpu.dma_semaphore, #tpu.memory_space<semaphore_mem>>)
    %dma_start3A_24 = arith.constant 1024 : i32
    %dma_start3A_25 = tpu.memref_slice %arg7[%dma_start3A_24] : memref<25600xf32, #tpu.memory_space<vmem>> -> memref<256xf32, #tpu.memory_space<vmem>>
    %dma_start3A_26 = arith.constant 1024 : i32
    %dma_start3A_27 = tpu.memref_slice %arg6[%dma_start3A_26] : memref<25600xi32, #tpu.memory_space<vmem>> -> memref<256xi32, #tpu.memory_space<vmem>>
    %dma_start3A_28 = arith.constant 0 : i32
    %dma_start3A_29 = tpu.memref_slice %arg3[%dma_start3A_28] : memref<2000000xf32, #tpu.memory_space<hbm>> -> memref<2000000xf32, #tpu.memory_space<hbm>>
    tpu.enqueue_indirect_dma source(%dma_start3A_29 : memref<2000000xf32, #tpu.memory_space<hbm>>) target(%dma_start3A_25 : memref<256xf32, #tpu.memory_space<vmem>>) offsets(%dma_start3A_27 : memref<256xi32, #tpu.memory_space<vmem>>) semaphore(%arg10 : memref<!tpu.dma_semaphore, #tpu.memory_space<semaphore_mem>>)
    %dma_start3A_30 = arith.constant 1280 : i32
    %dma_start3A_31 = tpu.memref_slice %arg7[%dma_start3A_30] : memref<25600xf32, #tpu.memory_space<vmem>> -> memref<256xf32, #tpu.memory_space<vmem>>
    %dma_start3A_32 = arith.constant 1280 : i32
    %dma_start3A_33 = tpu.memref_slice %arg6[%dma_start3A_32] : memref<25600xi32, #tpu.memory_space<vmem>> -> memref<256xi32, #tpu.memory_space<vmem>>
    %dma_start3A_34 = arith.constant 0 : i32
    %dma_start3A_35 = tpu.memref_slice %arg3[%dma_start3A_34] : memref<2000000xf32, #tpu.memory_space<hbm>> -> memref<2000000xf32, #tpu.memory_space<hbm>>
    tpu.enqueue_indirect_dma source(%dma_start3A_35 : memref<2000000xf32, #tpu.memory_space<hbm>>) target(%dma_start3A_31 : memref<256xf32, #tpu.memory_space<vmem>>) offsets(%dma_start3A_33 : memref<256xi32, #tpu.memory_space<vmem>>) semaphore(%arg10 : memref<!tpu.dma_semaphore, #tpu.memory_space<semaphore_mem>>)
    %dma_start3A_36 = arith.constant 1536 : i32
    %dma_start3A_37 = tpu.memref_slice %arg7[%dma_start3A_36] : memref<25600xf32, #tpu.memory_space<vmem>> -> memref<256xf32, #tpu.memory_space<vmem>>
    %dma_start3A_38 = arith.constant 1536 : i32
    %dma_start3A_39 = tpu.memref_slice %arg6[%dma_start3A_38] : memref<25600xi32, #tpu.memory_space<vmem>> -> memref<256xi32, #tpu.memory_space<vmem>>
    %dma_start3A_40 = arith.constant 0 : i32
    %dma_start3A_41 = tpu.memref_slice %arg3[%dma_start3A_40] : memref<2000000xf32, #tpu.memory_space<hbm>> -> memref<2000000xf32, #tpu.memory_space<hbm>>
    tpu.enqueue_indirect_dma source(%dma_start3A_41 : memref<2000000xf32, #tpu.memory_space<hbm>>) target(%dma_start3A_37 : memref<256xf32, #tpu.memory_space<vmem>>) offsets(%dma_start3A_39 : memref<256xi32, #tpu.memory_space<vmem>>) semaphore(%arg10 : memref<!tpu.dma_semaphore, #tpu.memory_space<semaphore_mem>>)
    %dma_start3A_42 = arith.constant 1792 : i32
    %dma_start3A_43 = tpu.memref_slice %arg7[%dma_start3A_42] : memref<25600xf32, #tpu.memory_space<vmem>> -> memref<256xf32, #tpu.memory_space<vmem>>
    %dma_start3A_44 = arith.constant 1792 : i32
    %dma_start3A_45 = tpu.memref_slice %arg6[%dma_start3A_44] : memref<25600xi32, #tpu.memory_space<vmem>> -> memref<256xi32, #tpu.memory_space<vmem>>
    %dma_start3A_46 = arith.constant 0 : i32
    %dma_start3A_47 = tpu.memref_slice %arg3[%dma_start3A_46] : memref<2000000xf32, #tpu.memory_space<hbm>> -> memref<2000000xf32, #tpu.memory_space<hbm>>
    tpu.enqueue_indirect_dma source(%dma_start3A_47 : memref<2000000xf32, #tpu.memory_space<hbm>>) target(%dma_start3A_43 : memref<256xf32, #tpu.memory_space<vmem>>) offsets(%dma_start3A_45 : memref<256xi32, #tpu.memory_space<vmem>>) semaphore(%arg10 : memref<!tpu.dma_semaphore, #tpu.memory_space<semaphore_mem>>)
    %dma_start3A_48 = arith.constant 2048 : i32
    %dma_start3A_49 = tpu.memref_slice %arg7[%dma_start3A_48] : memref<25600xf32, #tpu.memory_space<vmem>> -> memref<256xf32, #tpu.memory_space<vmem>>
    %dma_start3A_50 = arith.constant 2048 : i32
    %dma_start3A_51 = tpu.memref_slice %arg6[%dma_start3A_50] : memref<25600xi32, #tpu.memory_space<vmem>> -> memref<256xi32, #tpu.memory_space<vmem>>
    %dma_start3A_52 = arith.constant 0 : i32
    %dma_start3A_53 = tpu.memref_slice %arg3[%dma_start3A_52] : memref<2000000xf32, #tpu.memory_space<hbm>> -> memref<2000000xf32, #tpu.memory_space<hbm>>
    tpu.enqueue_indirect_dma source(%dma_start3A_53 : memref<2000000xf32, #tpu.memory_space<hbm>>) target(%dma_start3A_49 : memref<256xf32, #tpu.memory_space<vmem>>) offsets(%dma_start3A_51 : memref<256xi32, #tpu.memory_space<vmem>>) semaphore(%arg10 : memref<!tpu.dma_semaphore, #tpu.memory_space<semaphore_mem>>)
    %dma_start3A_54 = arith.constant 2304 : i32
    %dma_start3A_55 = tpu.memref_slice %arg7[%dma_start3A_54] : memref<25600xf32, #tpu.memory_space<vmem>> -> memref<256xf32, #tpu.memory_space<vmem>>
    %dma_start3A_56 = arith.constant 2304 : i32
    %dma_start3A_57 = tpu.memref_slice %arg6[%dma_start3A_56] : memref<25600xi32, #tpu.memory_space<vmem>> -> memref<256xi32, #tpu.memory_space<vmem>>
    %dma_start3A_58 = arith.constant 0 : i32
    %dma_start3A_59 = tpu.memref_slice %arg3[%dma_start3A_58] : memref<2000000xf32, #tpu.memory_space<hbm>> -> memref<2000000xf32, #tpu.memory_space<hbm>>
    tpu.enqueue_indirect_dma source(%dma_start3A_59 : memref<2000000xf32, #tpu.memory_space<hbm>>) target(%dma_start3A_55 : memref<256xf32, #tpu.memory_space<vmem>>) offsets(%dma_start3A_57 : memref<256xi32, #tpu.memory_space<vmem>>) semaphore(%arg10 : memref<!tpu.dma_semaphore, #tpu.memory_space<semaphore_mem>>)
    %dma_start3A_60 = arith.constant 2560 : i32
    %dma_start3A_61 = tpu.memref_slice %arg7[%dma_start3A_60] : memref<25600xf32, #tpu.memory_space<vmem>> -> memref<256xf32, #tpu.memory_space<vmem>>
    %dma_start3A_62 = arith.constant 2560 : i32
    %dma_start3A_63 = tpu.memref_slice %arg6[%dma_start3A_62] : memref<25600xi32, #tpu.memory_space<vmem>> -> memref<256xi32, #tpu.memory_space<vmem>>
    %dma_start3A_64 = arith.constant 0 : i32
    %dma_start3A_65 = tpu.memref_slice %arg3[%dma_start3A_64] : memref<2000000xf32, #tpu.memory_space<hbm>> -> memref<2000000xf32, #tpu.memory_space<hbm>>
    tpu.enqueue_indirect_dma source(%dma_start3A_65 : memref<2000000xf32, #tpu.memory_space<hbm>>) target(%dma_start3A_61 : memref<256xf32, #tpu.memory_space<vmem>>) offsets(%dma_start3A_63 : memref<256xi32, #tpu.memory_space<vmem>>) semaphore(%arg10 : memref<!tpu.dma_semaphore, #tpu.memory_space<semaphore_mem>>)
    %dma_start3A_66 = arith.constant 2816 : i32
    %dma_start3A_67 = tpu.memref_slice %arg7[%dma_start3A_66] : memref<25600xf32, #tpu.memory_space<vmem>> -> memref<256xf32, #tpu.memory_space<vmem>>
    %dma_start3A_68 = arith.constant 2816 : i32
    %dma_start3A_69 = tpu.memref_slice %arg6[%dma_start3A_68] : memref<25600xi32, #tpu.memory_space<vmem>> -> memref<256xi32, #tpu.memory_space<vmem>>
    %dma_start3A_70 = arith.constant 0 : i32
    %dma_start3A_71 = tpu.memref_slice %arg3[%dma_start3A_70] : memref<2000000xf32, #tpu.memory_space<hbm>> -> memref<2000000xf32, #tpu.memory_space<hbm>>
    tpu.enqueue_indirect_dma source(%dma_start3A_71 : memref<2000000xf32, #tpu.memory_space<hbm>>) target(%dma_start3A_67 : memref<256xf32, #tpu.memory_space<vmem>>) offsets(%dma_start3A_69 : memref<256xi32, #tpu.memory_space<vmem>>) semaphore(%arg10 : memref<!tpu.dma_semaphore, #tpu.memory_space<semaphore_mem>>)
    %scan3A = arith.constant 0 : i32
    %scan3A_72 = arith.constant 0 : i32
    %scan3A_73 = arith.constant 25 : i32
    %scan3A_74 = arith.addi %scan3A_72, %scan3A_73 : i32
    %scan3A_75 = arith.constant 1 : i32
    %scan3A_76 = scf.for %scan3A_355 = %scan3A_72 to %scan3A_74 step %scan3A_75 iter_args(%scan3A_356 = %scan3A) -> (i32)  : i32 {
      %add3A_357 = arith.constant 3 : i32
      %add3A_358 = arith.addi %scan3A_355, %add3A_357 : i32
      %lt3A = arith.constant 25 : i32
      %lt3A_359 = arith.cmpi slt, %add3A_358, %lt3A : i32
      %convert_element_type3A = arith.extui %lt3A_359 : i1 to i32
      %cond3A = arith.constant 0 : i32
      %cond3A_360 = arith.cmpi ne, %convert_element_type3A, %cond3A : i32
      scf.if %cond3A_360 {
        %add3A_409 = arith.constant 3 : i32
        %add3A_410 = arith.addi %scan3A_355, %add3A_409 : i32
        %mul3A_411 = arith.constant 4 : i32
        %mul3A_412 = arith.muli %add3A_410, %mul3A_411 : i32
        %add3A_413 = arith.constant 0 : i32
        %add3A_414 = arith.addi %mul3A_412, %add3A_413 : i32
        %mul3A_415 = arith.constant 256 : i32
        %mul3A_416 = arith.muli %add3A_414, %mul3A_415 : i32
        %mul3A_417 = arith.constant 256 : i32
        %mul3A_418 = arith.muli %add3A_414, %mul3A_417 : i32
        %dma_start3A_419 = tpu.memref_slice %arg7[%mul3A_418] : memref<25600xf32, #tpu.memory_space<vmem>> -> memref<256xf32, #tpu.memory_space<vmem>>
        %dma_start3A_420 = tpu.memref_slice %arg6[%mul3A_416] : memref<25600xi32, #tpu.memory_space<vmem>> -> memref<256xi32, #tpu.memory_space<vmem>>
        %dma_start3A_421 = arith.constant 0 : i32
        %dma_start3A_422 = tpu.memref_slice %arg3[%dma_start3A_421] : memref<2000000xf32, #tpu.memory_space<hbm>> -> memref<2000000xf32, #tpu.memory_space<hbm>>
        tpu.enqueue_indirect_dma source(%dma_start3A_422 : memref<2000000xf32, #tpu.memory_space<hbm>>) target(%dma_start3A_419 : memref<256xf32, #tpu.memory_space<vmem>>) offsets(%dma_start3A_420 : memref<256xi32, #tpu.memory_space<vmem>>) semaphore(%arg10 : memref<!tpu.dma_semaphore, #tpu.memory_space<semaphore_mem>>)
        %mul3A_423 = arith.constant 4 : i32
        %mul3A_424 = arith.muli %add3A_410, %mul3A_423 : i32
        %add3A_425 = arith.constant 1 : i32
        %add3A_426 = arith.addi %mul3A_424, %add3A_425 : i32
        %mul3A_427 = arith.constant 256 : i32
        %mul3A_428 = arith.muli %add3A_426, %mul3A_427 : i32
        %mul3A_429 = arith.constant 256 : i32
        %mul3A_430 = arith.muli %add3A_426, %mul3A_429 : i32
        %dma_start3A_431 = tpu.memref_slice %arg7[%mul3A_430] : memref<25600xf32, #tpu.memory_space<vmem>> -> memref<256xf32, #tpu.memory_space<vmem>>
        %dma_start3A_432 = tpu.memref_slice %arg6[%mul3A_428] : memref<25600xi32, #tpu.memory_space<vmem>> -> memref<256xi32, #tpu.memory_space<vmem>>
        %dma_start3A_433 = arith.constant 0 : i32
        %dma_start3A_434 = tpu.memref_slice %arg3[%dma_start3A_433] : memref<2000000xf32, #tpu.memory_space<hbm>> -> memref<2000000xf32, #tpu.memory_space<hbm>>
        tpu.enqueue_indirect_dma source(%dma_start3A_434 : memref<2000000xf32, #tpu.memory_space<hbm>>) target(%dma_start3A_431 : memref<256xf32, #tpu.memory_space<vmem>>) offsets(%dma_start3A_432 : memref<256xi32, #tpu.memory_space<vmem>>) semaphore(%arg10 : memref<!tpu.dma_semaphore, #tpu.memory_space<semaphore_mem>>)
        %mul3A_435 = arith.constant 4 : i32
        %mul3A_436 = arith.muli %add3A_410, %mul3A_435 : i32
        %add3A_437 = arith.constant 2 : i32
        %add3A_438 = arith.addi %mul3A_436, %add3A_437 : i32
        %mul3A_439 = arith.constant 256 : i32
        %mul3A_440 = arith.muli %add3A_438, %mul3A_439 : i32
        %mul3A_441 = arith.constant 256 : i32
        %mul3A_442 = arith.muli %add3A_438, %mul3A_441 : i32
        %dma_start3A_443 = tpu.memref_slice %arg7[%mul3A_442] : memref<25600xf32, #tpu.memory_space<vmem>> -> memref<256xf32, #tpu.memory_space<vmem>>
        %dma_start3A_444 = tpu.memref_slice %arg6[%mul3A_440] : memref<25600xi32, #tpu.memory_space<vmem>> -> memref<256xi32, #tpu.memory_space<vmem>>
        %dma_start3A_445 = arith.constant 0 : i32
        %dma_start3A_446 = tpu.memref_slice %arg3[%dma_start3A_445] : memref<2000000xf32, #tpu.memory_space<hbm>> -> memref<2000000xf32, #tpu.memory_space<hbm>>
        tpu.enqueue_indirect_dma source(%dma_start3A_446 : memref<2000000xf32, #tpu.memory_space<hbm>>) target(%dma_start3A_443 : memref<256xf32, #tpu.memory_space<vmem>>) offsets(%dma_start3A_444 : memref<256xi32, #tpu.memory_space<vmem>>) semaphore(%arg10 : memref<!tpu.dma_semaphore, #tpu.memory_space<semaphore_mem>>)
        %mul3A_447 = arith.constant 4 : i32
        %mul3A_448 = arith.muli %add3A_410, %mul3A_447 : i32
        %add3A_449 = arith.constant 3 : i32
        %add3A_450 = arith.addi %mul3A_448, %add3A_449 : i32
        %mul3A_451 = arith.constant 256 : i32
        %mul3A_452 = arith.muli %add3A_450, %mul3A_451 : i32
        %mul3A_453 = arith.constant 256 : i32
        %mul3A_454 = arith.muli %add3A_450, %mul3A_453 : i32
        %dma_start3A_455 = tpu.memref_slice %arg7[%mul3A_454] : memref<25600xf32, #tpu.memory_space<vmem>> -> memref<256xf32, #tpu.memory_space<vmem>>
        %dma_start3A_456 = tpu.memref_slice %arg6[%mul3A_452] : memref<25600xi32, #tpu.memory_space<vmem>> -> memref<256xi32, #tpu.memory_space<vmem>>
        %dma_start3A_457 = arith.constant 0 : i32
        %dma_start3A_458 = tpu.memref_slice %arg3[%dma_start3A_457] : memref<2000000xf32, #tpu.memory_space<hbm>> -> memref<2000000xf32, #tpu.memory_space<hbm>>
        tpu.enqueue_indirect_dma source(%dma_start3A_458 : memref<2000000xf32, #tpu.memory_space<hbm>>) target(%dma_start3A_455 : memref<256xf32, #tpu.memory_space<vmem>>) offsets(%dma_start3A_456 : memref<256xi32, #tpu.memory_space<vmem>>) semaphore(%arg10 : memref<!tpu.dma_semaphore, #tpu.memory_space<semaphore_mem>>)
      } else {
      }
      %mul3A_361 = arith.constant 4 : i32
      %mul3A_362 = arith.muli %scan3A_355, %mul3A_361 : i32
      %add3A_363 = arith.constant 0 : i32
      %add3A_364 = arith.addi %mul3A_362, %add3A_363 : i32
      %mul3A_365 = arith.constant 256 : i32
      %mul3A_366 = arith.muli %add3A_364, %mul3A_365 : i32
      %mul3A_367 = arith.constant 256 : i32
      %mul3A_368 = arith.muli %add3A_364, %mul3A_367 : i32
      %dma_wait3A = tpu.memref_slice %arg7[%mul3A_368] : memref<25600xf32, #tpu.memory_space<vmem>> -> memref<256xf32, #tpu.memory_space<vmem>>
      %dma_wait3A_369 = tpu.memref_slice %arg6[%mul3A_366] : memref<25600xi32, #tpu.memory_space<vmem>> -> memref<256xi32, #tpu.memory_space<vmem>>
      %dma_wait3A_370 = arith.constant 0 : i32
      %dma_wait3A_371 = tpu.memref_slice %arg3[%dma_wait3A_370] : memref<2000000xf32, #tpu.memory_space<hbm>> -> memref<2000000xf32, #tpu.memory_space<hbm>>
      tpu.wait_indirect_dma semaphore(%arg10 : memref<!tpu.dma_semaphore, #tpu.memory_space<semaphore_mem>>) src(%dma_wait3A_371 : memref<2000000xf32, #tpu.memory_space<hbm>>) dst(%dma_wait3A : memref<256xf32, #tpu.memory_space<vmem>>)
      %mul3A_372 = arith.constant 4 : i32
      %mul3A_373 = arith.muli %scan3A_355, %mul3A_372 : i32
      %add3A_374 = arith.constant 1 : i32
      %add3A_375 = arith.addi %mul3A_373, %add3A_374 : i32
      %mul3A_376 = arith.constant 256 : i32
      %mul3A_377 = arith.muli %add3A_375, %mul3A_376 : i32
      %mul3A_378 = arith.constant 256 : i32
      %mul3A_379 = arith.muli %add3A_375, %mul3A_378 : i32
      %dma_wait3A_380 = tpu.memref_slice %arg7[%mul3A_379] : memref<25600xf32, #tpu.memory_space<vmem>> -> memref<256xf32, #tpu.memory_space<vmem>>
      %dma_wait3A_381 = tpu.memref_slice %arg6[%mul3A_377] : memref<25600xi32, #tpu.memory_space<vmem>> -> memref<256xi32, #tpu.memory_space<vmem>>
      %dma_wait3A_382 = arith.constant 0 : i32
      %dma_wait3A_383 = tpu.memref_slice %arg3[%dma_wait3A_382] : memref<2000000xf32, #tpu.memory_space<hbm>> -> memref<2000000xf32, #tpu.memory_space<hbm>>
      tpu.wait_indirect_dma semaphore(%arg10 : memref<!tpu.dma_semaphore, #tpu.memory_space<semaphore_mem>>) src(%dma_wait3A_383 : memref<2000000xf32, #tpu.memory_space<hbm>>) dst(%dma_wait3A_380 : memref<256xf32, #tpu.memory_space<vmem>>)
      %mul3A_384 = arith.constant 4 : i32
      %mul3A_385 = arith.muli %scan3A_355, %mul3A_384 : i32
      %add3A_386 = arith.constant 2 : i32
      %add3A_387 = arith.addi %mul3A_385, %add3A_386 : i32
      %mul3A_388 = arith.constant 256 : i32
      %mul3A_389 = arith.muli %add3A_387, %mul3A_388 : i32
      %mul3A_390 = arith.constant 256 : i32
      %mul3A_391 = arith.muli %add3A_387, %mul3A_390 : i32
      %dma_wait3A_392 = tpu.memref_slice %arg7[%mul3A_391] : memref<25600xf32, #tpu.memory_space<vmem>> -> memref<256xf32, #tpu.memory_space<vmem>>
      %dma_wait3A_393 = tpu.memref_slice %arg6[%mul3A_389] : memref<25600xi32, #tpu.memory_space<vmem>> -> memref<256xi32, #tpu.memory_space<vmem>>
      %dma_wait3A_394 = arith.constant 0 : i32
      %dma_wait3A_395 = tpu.memref_slice %arg3[%dma_wait3A_394] : memref<2000000xf32, #tpu.memory_space<hbm>> -> memref<2000000xf32, #tpu.memory_space<hbm>>
      tpu.wait_indirect_dma semaphore(%arg10 : memref<!tpu.dma_semaphore, #tpu.memory_space<semaphore_mem>>) src(%dma_wait3A_395 : memref<2000000xf32, #tpu.memory_space<hbm>>) dst(%dma_wait3A_392 : memref<256xf32, #tpu.memory_space<vmem>>)
      %mul3A_396 = arith.constant 4 : i32
      %mul3A_397 = arith.muli %scan3A_355, %mul3A_396 : i32
      %add3A_398 = arith.constant 3 : i32
      %add3A_399 = arith.addi %mul3A_397, %add3A_398 : i32
      %mul3A_400 = arith.constant 256 : i32
      %mul3A_401 = arith.muli %add3A_399, %mul3A_400 : i32
      %mul3A_402 = arith.constant 256 : i32
      %mul3A_403 = arith.muli %add3A_399, %mul3A_402 : i32
      %dma_wait3A_404 = tpu.memref_slice %arg7[%mul3A_403] : memref<25600xf32, #tpu.memory_space<vmem>> -> memref<256xf32, #tpu.memory_space<vmem>>
      %dma_wait3A_405 = tpu.memref_slice %arg6[%mul3A_401] : memref<25600xi32, #tpu.memory_space<vmem>> -> memref<256xi32, #tpu.memory_space<vmem>>
      %dma_wait3A_406 = arith.constant 0 : i32
      %dma_wait3A_407 = tpu.memref_slice %arg3[%dma_wait3A_406] : memref<2000000xf32, #tpu.memory_space<hbm>> -> memref<2000000xf32, #tpu.memory_space<hbm>>
      tpu.wait_indirect_dma semaphore(%arg10 : memref<!tpu.dma_semaphore, #tpu.memory_space<semaphore_mem>>) src(%dma_wait3A_407 : memref<2000000xf32, #tpu.memory_space<hbm>>) dst(%dma_wait3A_404 : memref<256xf32, #tpu.memory_space<vmem>>)
      %scan3A_408 = arith.constant 0 : i32
      scf.yield %scan3A_408 : i32
    }
    %scan3A_77 = arith.constant 25 : i32
    %broadcast_in_dim3A = arith.constant 0.000000e+00 : f32
    %broadcast_in_dim3A_78 = vector.broadcast %broadcast_in_dim3A : f32 to vector<16xf32>
    %broadcast_in_dim3A_79 = arith.constant 0.000000e+00 : f32
    %broadcast_in_dim3A_80 = vector.broadcast %broadcast_in_dim3A_79 : f32 to vector<16xf32>
    %broadcast_in_dim3A_81 = arith.constant 0.000000e+00 : f32
    %broadcast_in_dim3A_82 = vector.broadcast %broadcast_in_dim3A_81 : f32 to vector<16xf32>
    %broadcast_in_dim3A_83 = arith.constant 0.000000e+00 : f32
    %broadcast_in_dim3A_84 = vector.broadcast %broadcast_in_dim3A_83 : f32 to vector<16xf32>
    %broadcast_in_dim3A_85 = arith.constant 0.000000e+00 : f32
    %broadcast_in_dim3A_86 = vector.broadcast %broadcast_in_dim3A_85 : f32 to vector<16xf32>
    %broadcast_in_dim3A_87 = arith.constant 0.000000e+00 : f32
    %broadcast_in_dim3A_88 = vector.broadcast %broadcast_in_dim3A_87 : f32 to vector<16xf32>
    %broadcast_in_dim3A_89 = arith.constant 0.000000e+00 : f32
    %broadcast_in_dim3A_90 = vector.broadcast %broadcast_in_dim3A_89 : f32 to vector<16xf32>
    %broadcast_in_dim3A_91 = arith.constant 0.000000e+00 : f32
    %broadcast_in_dim3A_92 = vector.broadcast %broadcast_in_dim3A_91 : f32 to vector<16xf32>
    %broadcast_in_dim3A_93 = arith.constant 0.000000e+00 : f32
    %broadcast_in_dim3A_94 = vector.broadcast %broadcast_in_dim3A_93 : f32 to vector<16xf32>
    %broadcast_in_dim3A_95 = arith.constant 0.000000e+00 : f32
    %broadcast_in_dim3A_96 = vector.broadcast %broadcast_in_dim3A_95 : f32 to vector<16xf32>
    %broadcast_in_dim3A_97 = arith.constant 0.000000e+00 : f32
    %broadcast_in_dim3A_98 = vector.broadcast %broadcast_in_dim3A_97 : f32 to vector<16xf32>
    %broadcast_in_dim3A_99 = arith.constant 0.000000e+00 : f32
    %broadcast_in_dim3A_100 = vector.broadcast %broadcast_in_dim3A_99 : f32 to vector<16xf32>
    %broadcast_in_dim3A_101 = arith.constant 0.000000e+00 : f32
    %broadcast_in_dim3A_102 = vector.broadcast %broadcast_in_dim3A_101 : f32 to vector<16xf32>
    %broadcast_in_dim3A_103 = arith.constant 0.000000e+00 : f32
    %broadcast_in_dim3A_104 = vector.broadcast %broadcast_in_dim3A_103 : f32 to vector<16xf32>
    %broadcast_in_dim3A_105 = arith.constant 0.000000e+00 : f32
    %broadcast_in_dim3A_106 = vector.broadcast %broadcast_in_dim3A_105 : f32 to vector<16xf32>
    %broadcast_in_dim3A_107 = arith.constant 0.000000e+00 : f32
    %broadcast_in_dim3A_108 = vector.broadcast %broadcast_in_dim3A_107 : f32 to vector<16xf32>
    %scan3A_109 = arith.constant 0 : i32
    %scan3A_110 = arith.constant 100 : i32
    %scan3A_111 = arith.addi %scan3A_109, %scan3A_110 : i32
    %scan3A_112 = arith.constant 1 : i32
    %scan3A_113:16 = scf.for %scan3A_355 = %scan3A_109 to %scan3A_111 step %scan3A_112 iter_args(%scan3A_356 = %broadcast_in_dim3A_78, %scan3A_357 = %broadcast_in_dim3A_80, %scan3A_358 = %broadcast_in_dim3A_82, %scan3A_359 = %broadcast_in_dim3A_84, %scan3A_360 = %broadcast_in_dim3A_86, %scan3A_361 = %broadcast_in_dim3A_88, %scan3A_362 = %broadcast_in_dim3A_90, %scan3A_363 = %broadcast_in_dim3A_92, %scan3A_364 = %broadcast_in_dim3A_94, %scan3A_365 = %broadcast_in_dim3A_96, %scan3A_366 = %broadcast_in_dim3A_98, %scan3A_367 = %broadcast_in_dim3A_100, %scan3A_368 = %broadcast_in_dim3A_102, %scan3A_369 = %broadcast_in_dim3A_104, %scan3A_370 = %broadcast_in_dim3A_106, %scan3A_371 = %broadcast_in_dim3A_108) -> (vector<16xf32>, vector<16xf32>, vector<16xf32>, vector<16xf32>, vector<16xf32>, vector<16xf32>, vector<16xf32>, vector<16xf32>, vector<16xf32>, vector<16xf32>, vector<16xf32>, vector<16xf32>, vector<16xf32>, vector<16xf32>, vector<16xf32>, vector<16xf32>)  : i32 {
      %mul3A_372 = arith.constant 256 : i32
      %mul3A_373 = arith.muli %scan3A_355, %mul3A_372 : i32
      %add3A_374 = arith.constant 0 : i32
      %add3A_375 = arith.addi %mul3A_373, %add3A_374 : i32
      %get3A_376 = arith.index_cast %add3A_375 : i32 to index
      %get3A_377 = tpu.vector_load %arg7[%get3A_376] {strides = array<i32>} : memref<25600xf32, #tpu.memory_space<vmem>>, vector<16xf32>,
      %get3A_378 = vector.shape_cast %get3A_377 : vector<16xf32> to vector<16xf32>
      %add3A_379 = arith.addf %scan3A_356, %get3A_378 : vector<16xf32>
      %add3A_380 = arith.constant 16 : i32
      %add3A_381 = arith.addi %mul3A_373, %add3A_380 : i32
      %get3A_382 = arith.index_cast %add3A_381 : i32 to index
      %get3A_383 = tpu.vector_load %arg7[%get3A_382] {strides = array<i32>} : memref<25600xf32, #tpu.memory_space<vmem>>, vector<16xf32>,
      %get3A_384 = vector.shape_cast %get3A_383 : vector<16xf32> to vector<16xf32>
      %add3A_385 = arith.addf %scan3A_357, %get3A_384 : vector<16xf32>
      %add3A_386 = arith.constant 32 : i32
      %add3A_387 = arith.addi %mul3A_373, %add3A_386 : i32
      %get3A_388 = arith.index_cast %add3A_387 : i32 to index
      %get3A_389 = tpu.vector_load %arg7[%get3A_388] {strides = array<i32>} : memref<25600xf32, #tpu.memory_space<vmem>>, vector<16xf32>,
      %get3A_390 = vector.shape_cast %get3A_389 : vector<16xf32> to vector<16xf32>
      %add3A_391 = arith.addf %scan3A_358, %get3A_390 : vector<16xf32>
      %add3A_392 = arith.constant 48 : i32
      %add3A_393 = arith.addi %mul3A_373, %add3A_392 : i32
      %get3A_394 = arith.index_cast %add3A_393 : i32 to index
      %get3A_395 = tpu.vector_load %arg7[%get3A_394] {strides = array<i32>} : memref<25600xf32, #tpu.memory_space<vmem>>, vector<16xf32>,
      %get3A_396 = vector.shape_cast %get3A_395 : vector<16xf32> to vector<16xf32>
      %add3A_397 = arith.addf %scan3A_359, %get3A_396 : vector<16xf32>
      %add3A_398 = arith.constant 64 : i32
      %add3A_399 = arith.addi %mul3A_373, %add3A_398 : i32
      %get3A_400 = arith.index_cast %add3A_399 : i32 to index
      %get3A_401 = tpu.vector_load %arg7[%get3A_400] {strides = array<i32>} : memref<25600xf32, #tpu.memory_space<vmem>>, vector<16xf32>,
      %get3A_402 = vector.shape_cast %get3A_401 : vector<16xf32> to vector<16xf32>
      %add3A_403 = arith.addf %scan3A_360, %get3A_402 : vector<16xf32>
      %add3A_404 = arith.constant 80 : i32
      %add3A_405 = arith.addi %mul3A_373, %add3A_404 : i32
      %get3A_406 = arith.index_cast %add3A_405 : i32 to index
      %get3A_407 = tpu.vector_load %arg7[%get3A_406] {strides = array<i32>} : memref<25600xf32, #tpu.memory_space<vmem>>, vector<16xf32>,
      %get3A_408 = vector.shape_cast %get3A_407 : vector<16xf32> to vector<16xf32>
      %add3A_409 = arith.addf %scan3A_361, %get3A_408 : vector<16xf32>
      %add3A_410 = arith.constant 96 : i32
      %add3A_411 = arith.addi %mul3A_373, %add3A_410 : i32
      %get3A_412 = arith.index_cast %add3A_411 : i32 to index
      %get3A_413 = tpu.vector_load %arg7[%get3A_412] {strides = array<i32>} : memref<25600xf32, #tpu.memory_space<vmem>>, vector<16xf32>,
      %get3A_414 = vector.shape_cast %get3A_413 : vector<16xf32> to vector<16xf32>
      %add3A_415 = arith.addf %scan3A_362, %get3A_414 : vector<16xf32>
      %add3A_416 = arith.constant 112 : i32
      %add3A_417 = arith.addi %mul3A_373, %add3A_416 : i32
      %get3A_418 = arith.index_cast %add3A_417 : i32 to index
      %get3A_419 = tpu.vector_load %arg7[%get3A_418] {strides = array<i32>} : memref<25600xf32, #tpu.memory_space<vmem>>, vector<16xf32>,
      %get3A_420 = vector.shape_cast %get3A_419 : vector<16xf32> to vector<16xf32>
      %add3A_421 = arith.addf %scan3A_363, %get3A_420 : vector<16xf32>
      %add3A_422 = arith.constant 128 : i32
      %add3A_423 = arith.addi %mul3A_373, %add3A_422 : i32
      %get3A_424 = arith.index_cast %add3A_423 : i32 to index
      %get3A_425 = tpu.vector_load %arg7[%get3A_424] {strides = array<i32>} : memref<25600xf32, #tpu.memory_space<vmem>>, vector<16xf32>,
      %get3A_426 = vector.shape_cast %get3A_425 : vector<16xf32> to vector<16xf32>
      %add3A_427 = arith.addf %scan3A_364, %get3A_426 : vector<16xf32>
      %add3A_428 = arith.constant 144 : i32
      %add3A_429 = arith.addi %mul3A_373, %add3A_428 : i32
      %get3A_430 = arith.index_cast %add3A_429 : i32 to index
      %get3A_431 = tpu.vector_load %arg7[%get3A_430] {strides = array<i32>} : memref<25600xf32, #tpu.memory_space<vmem>>, vector<16xf32>,
      %get3A_432 = vector.shape_cast %get3A_431 : vector<16xf32> to vector<16xf32>
      %add3A_433 = arith.addf %scan3A_365, %get3A_432 : vector<16xf32>
      %add3A_434 = arith.constant 160 : i32
      %add3A_435 = arith.addi %mul3A_373, %add3A_434 : i32
      %get3A_436 = arith.index_cast %add3A_435 : i32 to index
      %get3A_437 = tpu.vector_load %arg7[%get3A_436] {strides = array<i32>} : memref<25600xf32, #tpu.memory_space<vmem>>, vector<16xf32>,
      %get3A_438 = vector.shape_cast %get3A_437 : vector<16xf32> to vector<16xf32>
      %add3A_439 = arith.addf %scan3A_366, %get3A_438 : vector<16xf32>
      %add3A_440 = arith.constant 176 : i32
      %add3A_441 = arith.addi %mul3A_373, %add3A_440 : i32
      %get3A_442 = arith.index_cast %add3A_441 : i32 to index
      %get3A_443 = tpu.vector_load %arg7[%get3A_442] {strides = array<i32>} : memref<25600xf32, #tpu.memory_space<vmem>>, vector<16xf32>,
      %get3A_444 = vector.shape_cast %get3A_443 : vector<16xf32> to vector<16xf32>
      %add3A_445 = arith.addf %scan3A_367, %get3A_444 : vector<16xf32>
      %add3A_446 = arith.constant 192 : i32
      %add3A_447 = arith.addi %mul3A_373, %add3A_446 : i32
      %get3A_448 = arith.index_cast %add3A_447 : i32 to index
      %get3A_449 = tpu.vector_load %arg7[%get3A_448] {strides = array<i32>} : memref<25600xf32, #tpu.memory_space<vmem>>, vector<16xf32>,
      %get3A_450 = vector.shape_cast %get3A_449 : vector<16xf32> to vector<16xf32>
      %add3A_451 = arith.addf %scan3A_368, %get3A_450 : vector<16xf32>
      %add3A_452 = arith.constant 208 : i32
      %add3A_453 = arith.addi %mul3A_373, %add3A_452 : i32
      %get3A_454 = arith.index_cast %add3A_453 : i32 to index
      %get3A_455 = tpu.vector_load %arg7[%get3A_454] {strides = array<i32>} : memref<25600xf32, #tpu.memory_space<vmem>>, vector<16xf32>,
      %get3A_456 = vector.shape_cast %get3A_455 : vector<16xf32> to vector<16xf32>
      %add3A_457 = arith.addf %scan3A_369, %get3A_456 : vector<16xf32>
      %add3A_458 = arith.constant 224 : i32
      %add3A_459 = arith.addi %mul3A_373, %add3A_458 : i32
      %get3A_460 = arith.index_cast %add3A_459 : i32 to index
      %get3A_461 = tpu.vector_load %arg7[%get3A_460] {strides = array<i32>} : memref<25600xf32, #tpu.memory_space<vmem>>, vector<16xf32>,
      %get3A_462 = vector.shape_cast %get3A_461 : vector<16xf32> to vector<16xf32>
      %add3A_463 = arith.addf %scan3A_370, %get3A_462 : vector<16xf32>
      %add3A_464 = arith.constant 240 : i32
      %add3A_465 = arith.addi %mul3A_373, %add3A_464 : i32
      %get3A_466 = arith.index_cast %add3A_465 : i32 to index
      %get3A_467 = tpu.vector_load %arg7[%get3A_466] {strides = array<i32>} : memref<25600xf32, #tpu.memory_space<vmem>>, vector<16xf32>,
      %get3A_468 = vector.shape_cast %get3A_467 : vector<16xf32> to vector<16xf32>
      %add3A_469 = arith.addf %scan3A_371, %get3A_468 : vector<16xf32>
      scf.yield %add3A_379, %add3A_385, %add3A_391, %add3A_397, %add3A_403, %add3A_409, %add3A_415, %add3A_421, %add3A_427, %add3A_433, %add3A_439, %add3A_445, %add3A_451, %add3A_457, %add3A_463, %add3A_469 : vector<16xf32>, vector<16xf32>, vector<16xf32>, vector<16xf32>, vector<16xf32>, vector<16xf32>, vector<16xf32>, vector<16xf32>, vector<16xf32>, vector<16xf32>, vector<16xf32>, vector<16xf32>, vector<16xf32>, vector<16xf32>, vector<16xf32>, vector<16xf32>
    }
    %scan3A_114 = arith.constant 100 : i32
    %get3A = arith.constant 0 : index
    %get3A_115 = tpu.vector_load %arg9[%get3A] {strides = array<i32>} : memref<16xf32, #tpu.memory_space<vmem>>, vector<16xf32>,
    %get3A_116 = vector.shape_cast %get3A_115 : vector<16xf32> to vector<16xf32>
    %add3A_117 = arith.addf %scan3A_113#0, %get3A_116 : vector<16xf32>
    %neg3A = arith.constant 0.000000e+00 : f32
    %neg3A_118 = vector.broadcast %neg3A : f32 to vector<16xf32>
    %neg3A_119 = arith.subf %neg3A_118, %add3A_117 : vector<16xf32>
    %exp3A = math.exp %neg3A_119 : vector<16xf32>
    %add3A_120 = arith.constant 1.000000e+00 : f32
    %add3A_121 = vector.broadcast %add3A_120 : f32 to vector<16xf32>
    %add3A_122 = arith.addf %add3A_121, %exp3A : vector<16xf32>
    %div3A = arith.constant 1.000000e+00 : f32
    %div3A_123 = vector.broadcast %div3A : f32 to vector<16xf32>
    %div3A_124 = arith.divf %div3A_123, %add3A_122 : vector<16xf32>
    %swap3A = arith.constant 0 : index
    %swap3A_125 = tpu.vector_load %arg8[%swap3A] {strides = array<i32>} : memref<256xf32, #tpu.memory_space<vmem>>, vector<16xf32>,
    %swap3A_126 = vector.shape_cast %swap3A_125 : vector<16xf32> to vector<16xf32>
    %swap3A_127 = vector.shape_cast %div3A_124 : vector<16xf32> to vector<16xf32>
    tpu.vector_store %arg8[%swap3A], %swap3A_127 {strides = array<i32>} : memref<256xf32, #tpu.memory_space<vmem>>, vector<16xf32>,
    %add3A_128 = arith.addf %scan3A_113#1, %get3A_116 : vector<16xf32>
    %neg3A_129 = arith.constant 0.000000e+00 : f32
    %neg3A_130 = vector.broadcast %neg3A_129 : f32 to vector<16xf32>
    %neg3A_131 = arith.subf %neg3A_130, %add3A_128 : vector<16xf32>
    %exp3A_132 = math.exp %neg3A_131 : vector<16xf32>
    %add3A_133 = arith.constant 1.000000e+00 : f32
    %add3A_134 = vector.broadcast %add3A_133 : f32 to vector<16xf32>
    %add3A_135 = arith.addf %add3A_134, %exp3A_132 : vector<16xf32>
    %div3A_136 = arith.constant 1.000000e+00 : f32
    %div3A_137 = vector.broadcast %div3A_136 : f32 to vector<16xf32>
    %div3A_138 = arith.divf %div3A_137, %add3A_135 : vector<16xf32>
    %swap3A_139 = arith.constant 16 : index
    %swap3A_140 = tpu.vector_load %arg8[%swap3A_139] {strides = array<i32>} : memref<256xf32, #tpu.memory_space<vmem>>, vector<16xf32>,
    %swap3A_141 = vector.shape_cast %swap3A_140 : vector<16xf32> to vector<16xf32>
    %swap3A_142 = vector.shape_cast %div3A_138 : vector<16xf32> to vector<16xf32>
    tpu.vector_store %arg8[%swap3A_139], %swap3A_142 {strides = array<i32>} : memref<256xf32, #tpu.memory_space<vmem>>, vector<16xf32>,
    %add3A_143 = arith.addf %scan3A_113#2, %get3A_116 : vector<16xf32>
    %neg3A_144 = arith.constant 0.000000e+00 : f32
    %neg3A_145 = vector.broadcast %neg3A_144 : f32 to vector<16xf32>
    %neg3A_146 = arith.subf %neg3A_145, %add3A_143 : vector<16xf32>
    %exp3A_147 = math.exp %neg3A_146 : vector<16xf32>
    %add3A_148 = arith.constant 1.000000e+00 : f32
    %add3A_149 = vector.broadcast %add3A_148 : f32 to vector<16xf32>
    %add3A_150 = arith.addf %add3A_149, %exp3A_147 : vector<16xf32>
    %div3A_151 = arith.constant 1.000000e+00 : f32
    %div3A_152 = vector.broadcast %div3A_151 : f32 to vector<16xf32>
    %div3A_153 = arith.divf %div3A_152, %add3A_150 : vector<16xf32>
    %swap3A_154 = arith.constant 32 : index
    %swap3A_155 = tpu.vector_load %arg8[%swap3A_154] {strides = array<i32>} : memref<256xf32, #tpu.memory_space<vmem>>, vector<16xf32>,
    %swap3A_156 = vector.shape_cast %swap3A_155 : vector<16xf32> to vector<16xf32>
    %swap3A_157 = vector.shape_cast %div3A_153 : vector<16xf32> to vector<16xf32>
    tpu.vector_store %arg8[%swap3A_154], %swap3A_157 {strides = array<i32>} : memref<256xf32, #tpu.memory_space<vmem>>, vector<16xf32>,
    %add3A_158 = arith.addf %scan3A_113#3, %get3A_116 : vector<16xf32>
    %neg3A_159 = arith.constant 0.000000e+00 : f32
    %neg3A_160 = vector.broadcast %neg3A_159 : f32 to vector<16xf32>
    %neg3A_161 = arith.subf %neg3A_160, %add3A_158 : vector<16xf32>
    %exp3A_162 = math.exp %neg3A_161 : vector<16xf32>
    %add3A_163 = arith.constant 1.000000e+00 : f32
    %add3A_164 = vector.broadcast %add3A_163 : f32 to vector<16xf32>
    %add3A_165 = arith.addf %add3A_164, %exp3A_162 : vector<16xf32>
    %div3A_166 = arith.constant 1.000000e+00 : f32
    %div3A_167 = vector.broadcast %div3A_166 : f32 to vector<16xf32>
    %div3A_168 = arith.divf %div3A_167, %add3A_165 : vector<16xf32>
    %swap3A_169 = arith.constant 48 : index
    %swap3A_170 = tpu.vector_load %arg8[%swap3A_169] {strides = array<i32>} : memref<256xf32, #tpu.memory_space<vmem>>, vector<16xf32>,
    %swap3A_171 = vector.shape_cast %swap3A_170 : vector<16xf32> to vector<16xf32>
    %swap3A_172 = vector.shape_cast %div3A_168 : vector<16xf32> to vector<16xf32>
    tpu.vector_store %arg8[%swap3A_169], %swap3A_172 {strides = array<i32>} : memref<256xf32, #tpu.memory_space<vmem>>, vector<16xf32>,
    %add3A_173 = arith.addf %scan3A_113#4, %get3A_116 : vector<16xf32>
    %neg3A_174 = arith.constant 0.000000e+00 : f32
    %neg3A_175 = vector.broadcast %neg3A_174 : f32 to vector<16xf32>
    %neg3A_176 = arith.subf %neg3A_175, %add3A_173 : vector<16xf32>
    %exp3A_177 = math.exp %neg3A_176 : vector<16xf32>
    %add3A_178 = arith.constant 1.000000e+00 : f32
    %add3A_179 = vector.broadcast %add3A_178 : f32 to vector<16xf32>
    %add3A_180 = arith.addf %add3A_179, %exp3A_177 : vector<16xf32>
    %div3A_181 = arith.constant 1.000000e+00 : f32
    %div3A_182 = vector.broadcast %div3A_181 : f32 to vector<16xf32>
    %div3A_183 = arith.divf %div3A_182, %add3A_180 : vector<16xf32>
    %swap3A_184 = arith.constant 64 : index
    %swap3A_185 = tpu.vector_load %arg8[%swap3A_184] {strides = array<i32>} : memref<256xf32, #tpu.memory_space<vmem>>, vector<16xf32>,
    %swap3A_186 = vector.shape_cast %swap3A_185 : vector<16xf32> to vector<16xf32>
    %swap3A_187 = vector.shape_cast %div3A_183 : vector<16xf32> to vector<16xf32>
    tpu.vector_store %arg8[%swap3A_184], %swap3A_187 {strides = array<i32>} : memref<256xf32, #tpu.memory_space<vmem>>, vector<16xf32>,
    %add3A_188 = arith.addf %scan3A_113#5, %get3A_116 : vector<16xf32>
    %neg3A_189 = arith.constant 0.000000e+00 : f32
    %neg3A_190 = vector.broadcast %neg3A_189 : f32 to vector<16xf32>
    %neg3A_191 = arith.subf %neg3A_190, %add3A_188 : vector<16xf32>
    %exp3A_192 = math.exp %neg3A_191 : vector<16xf32>
    %add3A_193 = arith.constant 1.000000e+00 : f32
    %add3A_194 = vector.broadcast %add3A_193 : f32 to vector<16xf32>
    %add3A_195 = arith.addf %add3A_194, %exp3A_192 : vector<16xf32>
    %div3A_196 = arith.constant 1.000000e+00 : f32
    %div3A_197 = vector.broadcast %div3A_196 : f32 to vector<16xf32>
    %div3A_198 = arith.divf %div3A_197, %add3A_195 : vector<16xf32>
    %swap3A_199 = arith.constant 80 : index
    %swap3A_200 = tpu.vector_load %arg8[%swap3A_199] {strides = array<i32>} : memref<256xf32, #tpu.memory_space<vmem>>, vector<16xf32>,
    %swap3A_201 = vector.shape_cast %swap3A_200 : vector<16xf32> to vector<16xf32>
    %swap3A_202 = vector.shape_cast %div3A_198 : vector<16xf32> to vector<16xf32>
    tpu.vector_store %arg8[%swap3A_199], %swap3A_202 {strides = array<i32>} : memref<256xf32, #tpu.memory_space<vmem>>, vector<16xf32>,
    %add3A_203 = arith.addf %scan3A_113#6, %get3A_116 : vector<16xf32>
    %neg3A_204 = arith.constant 0.000000e+00 : f32
    %neg3A_205 = vector.broadcast %neg3A_204 : f32 to vector<16xf32>
    %neg3A_206 = arith.subf %neg3A_205, %add3A_203 : vector<16xf32>
    %exp3A_207 = math.exp %neg3A_206 : vector<16xf32>
    %add3A_208 = arith.constant 1.000000e+00 : f32
    %add3A_209 = vector.broadcast %add3A_208 : f32 to vector<16xf32>
    %add3A_210 = arith.addf %add3A_209, %exp3A_207 : vector<16xf32>
    %div3A_211 = arith.constant 1.000000e+00 : f32
    %div3A_212 = vector.broadcast %div3A_211 : f32 to vector<16xf32>
    %div3A_213 = arith.divf %div3A_212, %add3A_210 : vector<16xf32>
    %swap3A_214 = arith.constant 96 : index
    %swap3A_215 = tpu.vector_load %arg8[%swap3A_214] {strides = array<i32>} : memref<256xf32, #tpu.memory_space<vmem>>, vector<16xf32>,
    %swap3A_216 = vector.shape_cast %swap3A_215 : vector<16xf32> to vector<16xf32>
    %swap3A_217 = vector.shape_cast %div3A_213 : vector<16xf32> to vector<16xf32>
    tpu.vector_store %arg8[%swap3A_214], %swap3A_217 {strides = array<i32>} : memref<256xf32, #tpu.memory_space<vmem>>, vector<16xf32>,
    %add3A_218 = arith.addf %scan3A_113#7, %get3A_116 : vector<16xf32>
    %neg3A_219 = arith.constant 0.000000e+00 : f32
    %neg3A_220 = vector.broadcast %neg3A_219 : f32 to vector<16xf32>
    %neg3A_221 = arith.subf %neg3A_220, %add3A_218 : vector<16xf32>
    %exp3A_222 = math.exp %neg3A_221 : vector<16xf32>
    %add3A_223 = arith.constant 1.000000e+00 : f32
    %add3A_224 = vector.broadcast %add3A_223 : f32 to vector<16xf32>
    %add3A_225 = arith.addf %add3A_224, %exp3A_222 : vector<16xf32>
    %div3A_226 = arith.constant 1.000000e+00 : f32
    %div3A_227 = vector.broadcast %div3A_226 : f32 to vector<16xf32>
    %div3A_228 = arith.divf %div3A_227, %add3A_225 : vector<16xf32>
    %swap3A_229 = arith.constant 112 : index
    %swap3A_230 = tpu.vector_load %arg8[%swap3A_229] {strides = array<i32>} : memref<256xf32, #tpu.memory_space<vmem>>, vector<16xf32>,
    %swap3A_231 = vector.shape_cast %swap3A_230 : vector<16xf32> to vector<16xf32>
    %swap3A_232 = vector.shape_cast %div3A_228 : vector<16xf32> to vector<16xf32>
    tpu.vector_store %arg8[%swap3A_229], %swap3A_232 {strides = array<i32>} : memref<256xf32, #tpu.memory_space<vmem>>, vector<16xf32>,
    %add3A_233 = arith.addf %scan3A_113#8, %get3A_116 : vector<16xf32>
    %neg3A_234 = arith.constant 0.000000e+00 : f32
    %neg3A_235 = vector.broadcast %neg3A_234 : f32 to vector<16xf32>
    %neg3A_236 = arith.subf %neg3A_235, %add3A_233 : vector<16xf32>
    %exp3A_237 = math.exp %neg3A_236 : vector<16xf32>
    %add3A_238 = arith.constant 1.000000e+00 : f32
    %add3A_239 = vector.broadcast %add3A_238 : f32 to vector<16xf32>
    %add3A_240 = arith.addf %add3A_239, %exp3A_237 : vector<16xf32>
    %div3A_241 = arith.constant 1.000000e+00 : f32
    %div3A_242 = vector.broadcast %div3A_241 : f32 to vector<16xf32>
    %div3A_243 = arith.divf %div3A_242, %add3A_240 : vector<16xf32>
    %swap3A_244 = arith.constant 128 : index
    %swap3A_245 = tpu.vector_load %arg8[%swap3A_244] {strides = array<i32>} : memref<256xf32, #tpu.memory_space<vmem>>, vector<16xf32>,
    %swap3A_246 = vector.shape_cast %swap3A_245 : vector<16xf32> to vector<16xf32>
    %swap3A_247 = vector.shape_cast %div3A_243 : vector<16xf32> to vector<16xf32>
    tpu.vector_store %arg8[%swap3A_244], %swap3A_247 {strides = array<i32>} : memref<256xf32, #tpu.memory_space<vmem>>, vector<16xf32>,
    %add3A_248 = arith.addf %scan3A_113#9, %get3A_116 : vector<16xf32>
    %neg3A_249 = arith.constant 0.000000e+00 : f32
    %neg3A_250 = vector.broadcast %neg3A_249 : f32 to vector<16xf32>
    %neg3A_251 = arith.subf %neg3A_250, %add3A_248 : vector<16xf32>
    %exp3A_252 = math.exp %neg3A_251 : vector<16xf32>
    %add3A_253 = arith.constant 1.000000e+00 : f32
    %add3A_254 = vector.broadcast %add3A_253 : f32 to vector<16xf32>
    %add3A_255 = arith.addf %add3A_254, %exp3A_252 : vector<16xf32>
    %div3A_256 = arith.constant 1.000000e+00 : f32
    %div3A_257 = vector.broadcast %div3A_256 : f32 to vector<16xf32>
    %div3A_258 = arith.divf %div3A_257, %add3A_255 : vector<16xf32>
    %swap3A_259 = arith.constant 144 : index
    %swap3A_260 = tpu.vector_load %arg8[%swap3A_259] {strides = array<i32>} : memref<256xf32, #tpu.memory_space<vmem>>, vector<16xf32>,
    %swap3A_261 = vector.shape_cast %swap3A_260 : vector<16xf32> to vector<16xf32>
    %swap3A_262 = vector.shape_cast %div3A_258 : vector<16xf32> to vector<16xf32>
    tpu.vector_store %arg8[%swap3A_259], %swap3A_262 {strides = array<i32>} : memref<256xf32, #tpu.memory_space<vmem>>, vector<16xf32>,
    %add3A_263 = arith.addf %scan3A_113#10, %get3A_116 : vector<16xf32>
    %neg3A_264 = arith.constant 0.000000e+00 : f32
    %neg3A_265 = vector.broadcast %neg3A_264 : f32 to vector<16xf32>
    %neg3A_266 = arith.subf %neg3A_265, %add3A_263 : vector<16xf32>
    %exp3A_267 = math.exp %neg3A_266 : vector<16xf32>
    %add3A_268 = arith.constant 1.000000e+00 : f32
    %add3A_269 = vector.broadcast %add3A_268 : f32 to vector<16xf32>
    %add3A_270 = arith.addf %add3A_269, %exp3A_267 : vector<16xf32>
    %div3A_271 = arith.constant 1.000000e+00 : f32
    %div3A_272 = vector.broadcast %div3A_271 : f32 to vector<16xf32>
    %div3A_273 = arith.divf %div3A_272, %add3A_270 : vector<16xf32>
    %swap3A_274 = arith.constant 160 : index
    %swap3A_275 = tpu.vector_load %arg8[%swap3A_274] {strides = array<i32>} : memref<256xf32, #tpu.memory_space<vmem>>, vector<16xf32>,
    %swap3A_276 = vector.shape_cast %swap3A_275 : vector<16xf32> to vector<16xf32>
    %swap3A_277 = vector.shape_cast %div3A_273 : vector<16xf32> to vector<16xf32>
    tpu.vector_store %arg8[%swap3A_274], %swap3A_277 {strides = array<i32>} : memref<256xf32, #tpu.memory_space<vmem>>, vector<16xf32>,
    %add3A_278 = arith.addf %scan3A_113#11, %get3A_116 : vector<16xf32>
    %neg3A_279 = arith.constant 0.000000e+00 : f32
    %neg3A_280 = vector.broadcast %neg3A_279 : f32 to vector<16xf32>
    %neg3A_281 = arith.subf %neg3A_280, %add3A_278 : vector<16xf32>
    %exp3A_282 = math.exp %neg3A_281 : vector<16xf32>
    %add3A_283 = arith.constant 1.000000e+00 : f32
    %add3A_284 = vector.broadcast %add3A_283 : f32 to vector<16xf32>
    %add3A_285 = arith.addf %add3A_284, %exp3A_282 : vector<16xf32>
    %div3A_286 = arith.constant 1.000000e+00 : f32
    %div3A_287 = vector.broadcast %div3A_286 : f32 to vector<16xf32>
    %div3A_288 = arith.divf %div3A_287, %add3A_285 : vector<16xf32>
    %swap3A_289 = arith.constant 176 : index
    %swap3A_290 = tpu.vector_load %arg8[%swap3A_289] {strides = array<i32>} : memref<256xf32, #tpu.memory_space<vmem>>, vector<16xf32>,
    %swap3A_291 = vector.shape_cast %swap3A_290 : vector<16xf32> to vector<16xf32>
    %swap3A_292 = vector.shape_cast %div3A_288 : vector<16xf32> to vector<16xf32>
    tpu.vector_store %arg8[%swap3A_289], %swap3A_292 {strides = array<i32>} : memref<256xf32, #tpu.memory_space<vmem>>, vector<16xf32>,
    %add3A_293 = arith.addf %scan3A_113#12, %get3A_116 : vector<16xf32>
    %neg3A_294 = arith.constant 0.000000e+00 : f32
    %neg3A_295 = vector.broadcast %neg3A_294 : f32 to vector<16xf32>
    %neg3A_296 = arith.subf %neg3A_295, %add3A_293 : vector<16xf32>
    %exp3A_297 = math.exp %neg3A_296 : vector<16xf32>
    %add3A_298 = arith.constant 1.000000e+00 : f32
    %add3A_299 = vector.broadcast %add3A_298 : f32 to vector<16xf32>
    %add3A_300 = arith.addf %add3A_299, %exp3A_297 : vector<16xf32>
    %div3A_301 = arith.constant 1.000000e+00 : f32
    %div3A_302 = vector.broadcast %div3A_301 : f32 to vector<16xf32>
    %div3A_303 = arith.divf %div3A_302, %add3A_300 : vector<16xf32>
    %swap3A_304 = arith.constant 192 : index
    %swap3A_305 = tpu.vector_load %arg8[%swap3A_304] {strides = array<i32>} : memref<256xf32, #tpu.memory_space<vmem>>, vector<16xf32>,
    %swap3A_306 = vector.shape_cast %swap3A_305 : vector<16xf32> to vector<16xf32>
    %swap3A_307 = vector.shape_cast %div3A_303 : vector<16xf32> to vector<16xf32>
    tpu.vector_store %arg8[%swap3A_304], %swap3A_307 {strides = array<i32>} : memref<256xf32, #tpu.memory_space<vmem>>, vector<16xf32>,
    %add3A_308 = arith.addf %scan3A_113#13, %get3A_116 : vector<16xf32>
    %neg3A_309 = arith.constant 0.000000e+00 : f32
    %neg3A_310 = vector.broadcast %neg3A_309 : f32 to vector<16xf32>
    %neg3A_311 = arith.subf %neg3A_310, %add3A_308 : vector<16xf32>
    %exp3A_312 = math.exp %neg3A_311 : vector<16xf32>
    %add3A_313 = arith.constant 1.000000e+00 : f32
    %add3A_314 = vector.broadcast %add3A_313 : f32 to vector<16xf32>
    %add3A_315 = arith.addf %add3A_314, %exp3A_312 : vector<16xf32>
    %div3A_316 = arith.constant 1.000000e+00 : f32
    %div3A_317 = vector.broadcast %div3A_316 : f32 to vector<16xf32>
    %div3A_318 = arith.divf %div3A_317, %add3A_315 : vector<16xf32>
    %swap3A_319 = arith.constant 208 : index
    %swap3A_320 = tpu.vector_load %arg8[%swap3A_319] {strides = array<i32>} : memref<256xf32, #tpu.memory_space<vmem>>, vector<16xf32>,
    %swap3A_321 = vector.shape_cast %swap3A_320 : vector<16xf32> to vector<16xf32>
    %swap3A_322 = vector.shape_cast %div3A_318 : vector<16xf32> to vector<16xf32>
    tpu.vector_store %arg8[%swap3A_319], %swap3A_322 {strides = array<i32>} : memref<256xf32, #tpu.memory_space<vmem>>, vector<16xf32>,
    %add3A_323 = arith.addf %scan3A_113#14, %get3A_116 : vector<16xf32>
    %neg3A_324 = arith.constant 0.000000e+00 : f32
    %neg3A_325 = vector.broadcast %neg3A_324 : f32 to vector<16xf32>
    %neg3A_326 = arith.subf %neg3A_325, %add3A_323 : vector<16xf32>
    %exp3A_327 = math.exp %neg3A_326 : vector<16xf32>
    %add3A_328 = arith.constant 1.000000e+00 : f32
    %add3A_329 = vector.broadcast %add3A_328 : f32 to vector<16xf32>
    %add3A_330 = arith.addf %add3A_329, %exp3A_327 : vector<16xf32>
    %div3A_331 = arith.constant 1.000000e+00 : f32
    %div3A_332 = vector.broadcast %div3A_331 : f32 to vector<16xf32>
    %div3A_333 = arith.divf %div3A_332, %add3A_330 : vector<16xf32>
    %swap3A_334 = arith.constant 224 : index
    %swap3A_335 = tpu.vector_load %arg8[%swap3A_334] {strides = array<i32>} : memref<256xf32, #tpu.memory_space<vmem>>, vector<16xf32>,
    %swap3A_336 = vector.shape_cast %swap3A_335 : vector<16xf32> to vector<16xf32>
    %swap3A_337 = vector.shape_cast %div3A_333 : vector<16xf32> to vector<16xf32>
    tpu.vector_store %arg8[%swap3A_334], %swap3A_337 {strides = array<i32>} : memref<256xf32, #tpu.memory_space<vmem>>, vector<16xf32>,
    %add3A_338 = arith.addf %scan3A_113#15, %get3A_116 : vector<16xf32>
    %neg3A_339 = arith.constant 0.000000e+00 : f32
    %neg3A_340 = vector.broadcast %neg3A_339 : f32 to vector<16xf32>
    %neg3A_341 = arith.subf %neg3A_340, %add3A_338 : vector<16xf32>
    %exp3A_342 = math.exp %neg3A_341 : vector<16xf32>
    %add3A_343 = arith.constant 1.000000e+00 : f32
    %add3A_344 = vector.broadcast %add3A_343 : f32 to vector<16xf32>
    %add3A_345 = arith.addf %add3A_344, %exp3A_342 : vector<16xf32>
    %div3A_346 = arith.constant 1.000000e+00 : f32
    %div3A_347 = vector.broadcast %div3A_346 : f32 to vector<16xf32>
    %div3A_348 = arith.divf %div3A_347, %add3A_345 : vector<16xf32>
    %swap3A_349 = arith.constant 240 : index
    %swap3A_350 = tpu.vector_load %arg8[%swap3A_349] {strides = array<i32>} : memref<256xf32, #tpu.memory_space<vmem>>, vector<16xf32>,
    %swap3A_351 = vector.shape_cast %swap3A_350 : vector<16xf32> to vector<16xf32>
    %swap3A_352 = vector.shape_cast %div3A_348 : vector<16xf32> to vector<16xf32>
    tpu.vector_store %arg8[%swap3A_349], %swap3A_352 {strides = array<i32>} : memref<256xf32, #tpu.memory_space<vmem>>, vector<16xf32>,
    %mul3A_353 = arith.constant 256 : i32
    %mul3A_354 = arith.muli %add3A, %mul3A_353 : i32
    "tpu.region"() ({
      %run_scoped3A = tpu.sem_alloc : memref<!tpu.dma_semaphore, #tpu.memory_space<semaphore_mem>>
      %dma_start3A_355 = tpu.memref_slice %arg5[%mul3A_354] : memref<8192xf32, #tpu.memory_space<hbm>> -> memref<256xf32, #tpu.memory_space<hbm>>
      %dma_start3A_356 = tpu.memref_slice %arg5[%mul3A_354] : memref<8192xf32, #tpu.memory_space<hbm>> -> memref<256xf32, #tpu.memory_space<hbm>>
      tpu.enqueue_dma source(%arg8 : memref<256xf32, #tpu.memory_space<vmem>>) target(%dma_start3A_356 : memref<256xf32, #tpu.memory_space<hbm>>) target_semaphore(%run_scoped3A : memref<!tpu.dma_semaphore, #tpu.memory_space<semaphore_mem>>)
      %dma_wait3A = tpu.memref_slice %arg5[%mul3A_354] : memref<8192xf32, #tpu.memory_space<hbm>> -> memref<256xf32, #tpu.memory_space<hbm>>
      %dma_wait3A_357 = tpu.memref_slice %arg5[%mul3A_354] : memref<8192xf32, #tpu.memory_space<hbm>> -> memref<256xf32, #tpu.memory_space<hbm>>
      tpu.wait_dma2 semaphore(%run_scoped3A : memref<!tpu.dma_semaphore, #tpu.memory_space<semaphore_mem>>) src(%arg8 : memref<256xf32, #tpu.memory_space<vmem>>) dst(%dma_wait3A_357 : memref<256xf32, #tpu.memory_space<hbm>>)
      tpu.yield
    }) : () -> ()
    return
  }
}

module attributes {stable_mosaic.version = 14 : i64} {
  func.func @_tc_body(%arg0: i32, %arg1: memref<64x2xf32, #tpu.memory_space<vmem>>, %arg2: memref<64x32768xf32, #tpu.memory_space<vmem>>, %arg3: memref<2x32768xf32, #tpu.memory_space<vmem>>) attributes {dimension_semantics = [#tpu.dimension_semantics<arbitrary>], iteration_bounds = array<i64: 31>, scalar_prefetch = 0 : i64, scratch_operands = 0 : i64, tpu.core_type = #tpu.core_type<tc>, window_params = [{pipeline_mode = #tpu.pipeline_mode<synchronous>, transform_indices = @transform_0, window_bounds = array<i64: 64, 2>}, {transform_indices = @transform_1, window_bounds = array<i64: 64, 32768>}, {transform_indices = @transform_2, window_bounds = array<i64: 2, 32768>}]} {
    %get3A = arith.constant 0 : index
    %get3A_0 = arith.constant 0 : index
    %get3A_1 = vector.load %arg1[%get3A, %get3A_0] : memref<64x2xf32, #tpu.memory_space<vmem>>, vector<64x2xf32>
    %get3A_2 = arith.constant 0 : index
    %get3A_3 = arith.constant 0 : index
    %get3A_4 = vector.load %arg2[%get3A_2, %get3A_3] : memref<64x32768xf32, #tpu.memory_space<vmem>>, vector<64x32768xf32>
    %dot_general3A = arith.constant dense<0.000000e+00> : vector<2x32768xf32>
    %dot_general3A_5 = tpu.matmul %get3A_1, %get3A_4, %dot_general3A {dimension_numbers = #tpu.dot_dimension_numbers<[0], [0], [1], [1], [0, 1, 1, 1], [], []>, transpose_lhs_hint = false} : vector<64x2xf32>, vector<64x32768xf32>, vector<2x32768xf32> -> vector<2x32768xf32>
    %swap3A = arith.constant 0 : index
    %swap3A_6 = arith.constant 0 : index
    %swap3A_7 = vector.load %arg3[%swap3A, %swap3A_6] : memref<2x32768xf32, #tpu.memory_space<vmem>>, vector<2x32768xf32>
    tpu.vector_store %arg3[%swap3A, %swap3A_6], %dot_general3A_5 {strides = array<i32>} : memref<2x32768xf32, #tpu.memory_space<vmem>>, vector<2x32768xf32>,
    return
  }
  func.func @transform_0(%arg0: i32) -> (i32, i32) {
    %c0_i32 = arith.constant 0 : i32
    %c0_i32_0 = arith.constant 0 : i32
    %c0_i32_1 = arith.constant 0 : i32
    return %c0_i32, %c0_i32_0 : i32, i32
  }
  func.func @transform_1(%arg0: i32) -> (i32, i32) {
    %c0_i32 = arith.constant 0 : i32
    %c0_i32_0 = arith.constant 0 : i32
    return %c0_i32, %arg0 : i32, i32
  }
  func.func @transform_2(%arg0: i32) -> (i32, i32) {
    %c0_i32 = arith.constant 0 : i32
    %c0_i32_0 = arith.constant 0 : i32
    return %c0_i32, %arg0 : i32, i32
  }
}

</mosaic_0001>

<sc_bundles>
// kernel: kernel.4.cloned.1.call-start
scs
__scs_entry_jumppad:
0x0: {  	(pc) =	sbr.rel $0x88, $3  }
0x1: {  	(tag) =	ssettag $0x0;
	lr =	simm.s32 $0x1  }
0x2: {  	[smem:$0x3F9D] =	sst lr;
	_ =	strace $0xD0000000  }
0x3: {  	_ = 	snop  }
0x4: {  	_ = 	snop  }
0x5: {  	_ = 	snop  }
0x6: {  	_ = 	snop  }
0x7: {  	_ = 	snop  }
__scs_overlays_trampoline_lowered:
0x8: {  	[smem:$0x3FAC] =	sst s0  }
0x9: {  	[smem:$0x3FAD] =	sst s1  }
0xa: {  	[smem:$0x3FAE] =	sst s2  }
0xb: {  	[smem:$0x3FAF] =	sst s3  }
0xc: {  	[smem:$0x3FB0] =	sst s4  }
0xd: {  	[smem:$0x3FB1] =	sst s5  }
0xe: {  	[smem:$0x3FB2] =	sst s6  }
0xf: {  	[smem:$0x3FB3] =	sst s7  }
0x10: {  	[smem:$0x3FB4] =	sst s8  }
0x11: {  	[smem:$0x3FB5] =	sst s9;
	s0 =	simm.s32 @!p0 $0x0  }
0x12: {  	s1 =	sld [smem:$0x3F9B];
	s0 =	simm.s32 @p0 $0x1  }
0x13: {  	[smem:$0x3FB6] =	sst s0;
	s0 =	simm.s32 @!p1 $0x0  }
0x14: {  	s2 =	sld [smem:$0x3F9A];
	s0 =	simm.s32 @p1 $0x1  }
0x15: {  	[smem:$0x3FB7] =	sst s0;
	s0 =	simm.s32 @!p2 $0x0  }
0x16: {  	s3 =	sld [smem:$0x3FDB];
	s0 =	simm.s32 @p2 $0x1  }
0x17: {  	s4 =	simm.s32 $0x1BF5;
	[smem:$0x3FB9] =	sst s0  }
0x18: {  	s0 =	sld [smem:$0x3F9C];
	_ =	swait.ge [sflag:s4], $0x0  }
0x19: {  	s7 =	sld [smem:$0x3F9D]  }
0x1a: {  	s8 =	sadd.s32 $0xFFFFE003, lr  }
0x1b: {  	s9 =	sadd.s32 $0xFFFFFEF7, lr;
	s5 =	simm.s32 $0xFFFFFFFF;
	p2 =	slt.u32 s8, $0xFFFFF086  }
0x1c: {  	p1 =	slt.u32 s9, $0xF7A;
	s5 =	simm.s32 @!p2 $0x0  }
0x1d: {  	s5 =	simm.s32 @p1 $0x1;
	p0 =	seq.s32 s7, s2  }
0x1e: {  	s7 =	smul.u32 @!p0 $0xF7A, s2;
	p2 =	seq.s32 @!p0 s5, $0x0  }
0x1f: {  	s9 =	smul.u32 $0xF7A, s1;
	s8 =	simm.s32 @!p0 $0x1BF5;
	p2 =	por !p2, p0  }
0x20: {  	[sflag:s8] =	ssyncset.s32 @!p0 $0xFFFFF086;
	s6 =	sadd.s32 @!p0 s3, s7;
	s7 =	simm.s32 @!p0 $0x108  }
0x21: {  	s3 =	sadd.s32 s3, s9;
	s6 =	sadd.s32 @!p0 $0x88, s6;
	s7 =	simm.s32 @p2 $0x1082  }
0x22: {  	[simem:s7], [sflag:s8] =	dma.local @!p0 [hbm:s6], $0xF7A  }
0x23: {  	s9 =	sor.u32 $0xD0000000, s2;
	s6 =	simm.s32 $0x108;
	_ =	swait.ge @!p0 [sflag:s8], $0x0  }
0x24: {  	s3 =	sadd.s32 $0x88, s3;
	s6 =	simm.s32 @!p1 $0x1082;
	[sflag:s4] =	ssyncset.s32 $0xFFFFF086  }
0x25: {  	[simem:s6], [sflag:s4] =	dma.local [hbm:s3], $0xF7A  }
0x26: {  	[smem:$0x3F9D] =	sst s1;
	(tag) =	ssettag s2;
	_ =	strace s9  }
0x27: {  	s1 =	sld [smem:$0x3FAD]  }
0x28: {  	s2 =	sld [smem:$0x3FAE]  }
0x29: {  	s4 =	sld [smem:$0x3FB0]  }
0x2a: {  	p0 =	seq.s32 s5, $0x0;
	s5 =	sld [smem:$0x3FB1]  }
0x2b: {  	s6 =	sld [smem:$0x3FB2]  }
0x2c: {  	s7 =	sld [smem:$0x3FB3]  }
0x2d: {  	s3 =	simm.s32 $0x108;
	s8 =	sld [smem:$0x3FB4]  }
0x2e: {  	s3 =	simm.s32 @!p0 $0x1082;
	s9 =	sld [smem:$0x3FB5]  }
0x2f: {  	lr =	sadd.s32 s0, s3;
	s0 =	sld [smem:$0x3FAC]  }
0x30: {  	s3 =	sld [smem:$0x3FAF]  }
0x31: {  	[smem:$0x3FB8] =	sst s10  }
0x32: {  	s10 =	sld [smem:$0x3FB6];
	_ =	sdelay $0x3  }
0x33: {  	p0 =	seq.s32 s10, $0x1;
	s10 =	sld [smem:$0x3FB8];
	_ =	sdelay $0x3  }
0x34: {  	[smem:$0x3FB8] =	sst s10  }
0x35: {  	s10 =	sld [smem:$0x3FB7];
	_ =	sdelay $0x3  }
0x36: {  	p1 =	seq.s32 s10, $0x1;
	s10 =	sld [smem:$0x3FB8];
	_ =	sdelay $0x3  }
0x37: {  	[smem:$0x3FB8] =	sst s10  }
0x38: {  	s10 =	sld [smem:$0x3FB9]  }
0x39: {  	_ = 	snop;
	(pc) =	sbr.ind lr, $3  }
0x3a: {  	_ = 	snop  }
0x3b: {  	_ = 	snop  }
0x3c: {  	p2 =	seq.s32 s10, $0x1;
	s10 =	sld [smem:$0x3FB8]  }
0x3d: {  	_ =	shalt  }
0x3e: {  	_ =	shalt  }
0x3f: {  	_ =	shalt  }
0x40: {  	_ =	shalt  }
0x41: {  	_ =	shalt  }
0x42: {  	_ =	shalt  }
0x43: {  	_ =	shalt  }
0x44: {  	_ =	shalt  }
0x45: {  	_ =	shalt  }
0x46: {  	_ =	shalt  }
0x47: {  	_ =	shalt  }
0x48: {  	_ =	shalt  }
0x49: {  	_ =	shalt  }
0x4a: {  	_ =	shalt  }
0x4b: {  	_ =	shalt  }
0x4c: {  	_ =	shalt  }
0x4d: {  	_ =	shalt  }
0x4e: {  	_ =	shalt  }
0x4f: {  	_ =	shalt  }
0x50: {  	_ =	shalt  }
0x51: {  	_ =	shalt  }
0x52: {  	_ =	shalt  }
0x53: {  	_ =	shalt  }
0x54: {  	_ =	shalt  }
0x55: {  	_ =	shalt  }
0x56: {  	_ =	shalt  }
0x57: {  	_ =	shalt  }
0x58: {  	_ =	shalt  }
0x59: {  	_ =	shalt  }
0x5a: {  	_ =	shalt  }
0x5b: {  	_ =	shalt  }
0x5c: {  	_ =	shalt  }
0x5d: {  	_ =	shalt  }
0x5e: {  	_ =	shalt  }
0x5f: {  	_ =	shalt  }
0x60: {  	_ =	shalt  }
0x61: {  	_ =	shalt  }
0x62: {  	_ =	shalt  }
0x63: {  	_ =	shalt  }
0x64: {  	_ =	shalt  }
0x65: {  	_ =	shalt  }
0x66: {  	_ =	shalt  }
0x67: {  	_ =	shalt  }
0x68: {  	_ =	shalt  }
0x69: {  	_ =	shalt  }
0x6a: {  	_ =	shalt  }
0x6b: {  	_ =	shalt  }
0x6c: {  	_ =	shalt  }
0x6d: {  	_ =	shalt  }
0x6e: {  	_ =	shalt  }
0x6f: {  	_ =	shalt  }
0x70: {  	_ =	shalt  }
0x71: {  	_ =	shalt  }
0x72: {  	_ =	shalt  }
0x73: {  	_ =	shalt  }
0x74: {  	_ =	shalt  }
0x75: {  	_ =	shalt  }
0x76: {  	_ =	shalt  }
0x77: {  	_ =	shalt  }
0x78: {  	_ =	shalt  }
0x79: {  	_ =	shalt  }
0x7a: {  	_ =	shalt  }
0x7b: {  	_ =	shalt  }
0x7c: {  	_ =	shalt  }
0x7d: {  	_ =	shalt  }
0x7e: {  	_ =	shalt  }
0x7f: {  	_ =	shalt  }
0x80: {  	_ =	shalt  }
0x81: {  	_ =	shalt  }
0x82: {  	_ =	shalt  }
0x83: {  	_ =	shalt  }
0x84: {  	_ =	shalt  }
0x85: {  	_ =	shalt  }
0x86: {  	_ =	shalt  }
0x87: {  	_ =	shalt  }
.Lfunc_end0:
.L_simem_size_0:
called_computation_lowered:
.L_overlay_start_0:
0x88: {  	s2 =	sld [smem:$0x3FD9]  }
0x89: {  	s3 =	sld [smem:$0x3FFE];
	_ =	sdelay $0x1  }
0x8a: {  	s1 =	srdreg.scid  }
0x8b: {  	s0 =	sand.u32 $0x1, s1  }
0x8c: {  	s17 =	sshll.u32 s0, $0xA;
	s2 =	sadd.s32 s3, s2  }
0x8d: {  	s2 =	sadd.s32 s2, s17  }
0x8e: {  	[smem:$0x3FC4] =	sst s2  }
0x8f: {  	_ = 	snop  }
0x90: {  	s2 =	sld [smem:$0x3FD0];
	(tm) =	ssettm $0x1  }
0x91: {  	s18 =	sld [smem:$0x3FFB];
	_ =	sdelay $0x3  }
0x92: {  	_ =	strace s18  }
0x93: {  	s3 =	sld [smem:$0x3FFC];
	_ =	sdelay $0x3  }
0x94: {  	_ =	strace s3  }
0x95: {  	s3 =	sld [smem:$0x3FFD];
	_ =	sdelay $0x3  }
0x96: {  	_ =	strace s3  }
0x97: {  	_ =	strace $0x8FFFFFFF  }
0x98: {  	s19 =	sld [smem:$0x3FDB];
	_ =	sdelay $0x1  }
0x99: {  	s4 =	simm.s32 $_scs_section_size  }
0x9a: {  	s5 =	simm.s32 $_size__tile_overlayer_lowered;
	s6 =	simm.s32 $_tile_overlayer_lowered  }
0x9b: {  	s22 =	simm.s32 $0x1BFF;
	s21 =	sshll.u32 s6, $0x1;
	s3 =	sadd.s32 s4, s19  }
0x9c: {  	s7 =	simm.s32 $0x0;
	s20 =	sshll.u32 s5, $0x1;
	s5 =	sadd.s32 s21, s3  }
0x9d: {  	[timem:s7], [sflag:s22] =	dma.local [hbm:s5], s20  }
0x9e: {  	_ =	swait.ge [sflag:s22], s20  }
0x9f: {  	s4 =	ssub.s32 $0x0, s20;
	[sflag:s22] =	ssyncset.done $0x0  }
0xa0: {  	[sflag:s22] =	ssyncadd.s32 s4;
	_ =	sdelay $0x1  }
0xa1: {  	s23 =	simm.s32 $0x1B8B  }
0xa2: {  	_ =	swait.ge [sflag:s23], $0x1  }
0xa3: {  	[sflag:s23] =	ssyncset.done $0x0  }
0xa4: {  	s25 =	simm.s32 $0x1B8E;
	s24 =	sld [smem:$0x3FFE];
	[sflag:s23] =	ssyncadd.s32 $0xFFFFFFFF  }
0xa5: {  	s26 =	simm.s32 $execute0_lowered;
	[smem:$0x3FD2] =	sst s25  }
0xa6: {  	s5 =	sshll.u32 s26, $0x1;
	_ =	strace $0x80000046;
	[dreg:$0x1] =	wrdreg $0xFFFFFFFF  }
0xa7: {  	s28 =	simm.s32 $_size_execute0_lowered;
	s3 =	sadd.s32 s3, s5;
	[dreg:$0x0] =	wrdreg $0x0  }
0xa8: {  	s5 =	sshll.u32 s28, $0x1;
	[dreg:$0x2] =	wrdreg s3  }
0xa9: {  	[dreg:$0x3] =	wrdreg s5  }
0xaa: {  	[dreg:$0x4] =	wrdreg $0xC0  }
0xab: {  	_ =	task [dreg:s7], $0x5FFFF  }
0xac: {  	[dreg:$0x1] =	wrdreg $0xFFFFFFFF  }
0xad: {  	[dreg:$0x0] =	wrdreg $0x60  }
0xae: {  	[dreg:$0x2] =	wrdreg s24  }
0xaf: {  	[dreg:$0x3] =	wrdreg s2  }
0xb0: {  	[dreg:$0x4] =	wrdreg $0x9  }
0xb1: {  	_ =	task.clear_ibuf [dreg:s7], $0x5FFFF;
	_ =	strace $0x90000046  }
0xb2: {  	s29 =	simm.s32 $0x9;
	_ =	strace $0x80000048  }
0xb3: {  	_ =	swait.ge [sflag:s29], $0x1  }
0xb4: {  	[sflag:s29] =	ssyncadd.s32 $0xFFFFFFFF  }
0xb5: {  	_ =	strace $0x90000048  }
0xb6: {  	_ =	sfence  }
0xb7: {  	s30 =	sld [smem:$0x0];
	_ =	sdelay $0x2  }
0xb8: {  	s31 =	sshll.u32 s1, $0xD;
	s1 =	sshrl.u32 s1, $0x2  }
0xb9: {  	s3 =	sand.u32 $0x4000, s31;
	s1 =	sadd.s32 s1, s30  }
0xba: {  	s0 =	sor.u32 s3, s0;
	s1 =	sshll.u32 s1, $0x11  }
0xbb: {  	s0 =	sor.u32 s1, s0  }
0xbc: {  	s0 =	sadd.s32 $0x8F2B, s0  }
0xbd: {  	[sflag:s0] =	ssyncadd.remote.s32 $0x1  }
0xbe: {  	_ =	sfence.sel $0xFFFF  }
0xbf: {  	[dreg:$0x0] =	wrdreg $0xFFFFFFFF;
	(pc) =	sbr.abs _section_cstart, $3  }
0xc0: {  	[dreg:$0x1] =	wrdreg $0xFFFFFFFF  }
0xc1: {  	_ =	task.clear_ibuf [dreg:s7], $0x2FFFF;
	_ =	strace $0x9FFFFFFF  }
0xc2: {  	(tm) =	ssettm $0x7FFFFFFF  }
0xc3: {  	_ =	shalt  }
tec
execute0_lowered:
.L_overlay_start_1:
0x0: {  	(tag) =	ssettag $0x1  }
0x1: {  	s0 =	srdreg.scid;
	s4 =	rddreg [dreg:$0x0]  }
0x2: {  	s2 =	stileid.u32;
	s6 =	rddreg [dreg:$0x1];
	s9 =	simm.s32 $0x400  }
0x3: {  	s10 =	simm.s32 $0x2;
	s12 =	simm.s32 $0x100;
	s22 =	simm.s32 $0x600  }
0x4: {  	s23 =	simm.s32 $0x6A00;
	s24 =	simm.s32 $0x700;
	s25 =	simm.s32 $0x6B00  }
0x5: {  	s28 =	simm.s32 $0x6C00;
	s29 =	simm.s32 $0x900;
	s30 =	simm.s32 $0x6D00  }
0x6: {  	s31 =	simm.s32 $0xA00;
	s8 =	simm.s32 $0x6F00;
	s11 =	simm.s32 $0x1  }
0x7: {  	s13 =	simm.s32 $0xC800;
	s0 =	sand.u32 $0x1, s0;
	s1 =	sshll.u32 s2, $0x1  }
0x8: {  	s14 =	simm.s32 $0x0;
	s2 =	sshrl.u32 s2, $0x2;
	s1 =	sor.u32 s0, s1  }
0x9: {  	s3 =	smul.u32 $0x32000, s2;
	s2 =	simm.s32 $0x0;
	s0 =	ssub.s32 $0x2, s0  }
0xa: {  	s5 =	sshll.u32 s1, $0x7;
	[smem:$0x7FF] =	sst s2;
	s7 =	sshrl.u32 s0, $0x1  }
0xb: {  	s1 =	sshll.u32 s1, $0x5;
	s5 =	sand.u32 $0x380, s5;
	_ =	strace $0x80000047  }
0xc: {  	s0 =	ssub.s32 s0, s7;
	s6 =	sadd.s32 s6, s1;
	s3 =	sor.u32 s3, s5  }
0xd: {  	s1 =	simm.s32 $0x6E00;
	s7 =	smax.u32 s0, $0x1;
	s3 =	sshrl.u32 s3, $0x3  }
0xe: {  	s0 =	simm.s32 $0xB00;
	s26 =	sadd.s32 s3, s4;
	s3 =	sadd.s32 $0x200, s4  }
0xf: {  	s4 =	sadd.s32 $0x56400, s4;
	s5 =	sadd.s32 $0x3D400, s26;
	s26 =	simm.s32 $0x800  }
.LBB2_1:
0x10: {  	s15 =	simm.s32 $0x80  }
0x11: {  	[tilespmem:s2], [sflag:$0x2] =	stream.strided.gather [hbm4b:s5+s15], $0x6400, s9, s15, $0x38;
	[tilespmem:$0xC980] =	vst v63  }
0x12: {  	_ =	swait.ge [sflag:s10], $0x6400  }
0x13: {  	[sflag:s10] =	ssyncset.done $0x0  }
0x14: {  	s18 =	simm.s32 $0xC900;
	[sflag:s10] =	ssyncadd.s32 $0xFFFF9C00  }
0x15: {  	[tilespmem:s18], [sflag:$0x2] =	stream.linear.gather [hbm4b:s4+s2], $0x80, $0x38;
	[tilespmem:$0xC980] =	vst v63  }
0x16: {  	_ =	swait.ge [sflag:s10], $0x80  }
0x17: {  	[sflag:s10] =	ssyncset.done $0x0  }
0x18: {  	s19 =	simm.s32 $0x6400;
	[sflag:s10] =	ssyncadd.s32 $0xFFFFFF80  }
0x19: {  	[tilespmem:s19], [sflag:$0x1] =	stream.indirect.gather [hbm4b:s3+s12], $0x1, s2, s12, $0xb8;
	[tilespmem:$0xC980] =	vst v63  }
0x1a: {  	s20 =	simm.s32 $0x6500  }
0x1b: {  	[tilespmem:s20], [sflag:$0x1] =	stream.indirect.gather [hbm4b:s3+s12], $0x1, s12, s12, $0xb8;
	[tilespmem:$0xC980] =	vst v63  }
0x1c: {  	s21 =	simm.s32 $0x200;
	s16 =	simm.s32 $0x6600  }
0x1d: {  	[tilespmem:s16], [sflag:$0x1] =	stream.indirect.gather [hbm4b:s3+s12], $0x1, s21, s12, $0xb8;
	[tilespmem:$0xC980] =	vst v63  }
0x1e: {  	s17 =	simm.s32 $0x300;
	s18 =	simm.s32 $0x6700  }
0x1f: {  	[tilespmem:s18], [sflag:$0x1] =	stream.indirect.gather [hbm4b:s3+s12], $0x1, s17, s12, $0xb8;
	[tilespmem:$0xC980] =	vst v63  }
0x20: {  	s19 =	simm.s32 $0x6800  }
0x21: {  	[tilespmem:s19], [sflag:$0x1] =	stream.indirect.gather [hbm4b:s3+s12], $0x1, s9, s12, $0xb8;
	[tilespmem:$0xC980] =	vst v63  }
0x22: {  	s20 =	simm.s32 $0x500;
	s21 =	simm.s32 $0x6900  }
0x23: {  	[tilespmem:s21], [sflag:$0x1] =	stream.indirect.gather [hbm4b:s3+s12], $0x1, s20, s12, $0xb8;
	[tilespmem:$0xC980] =	vst v63  }
0x24: {  	_ = 	snop  }
0x25: {  	[tilespmem:s23], [sflag:$0x1] =	stream.indirect.gather [hbm4b:s3+s12], $0x1, s22, s12, $0xb8;
	[tilespmem:$0xC980] =	vst v63  }
0x26: {  	_ = 	snop  }
0x27: {  	[tilespmem:s25], [sflag:$0x1] =	stream.indirect.gather [hbm4b:s3+s12], $0x1, s24, s12, $0xb8;
	[tilespmem:$0xC980] =	vst v63  }
0x28: {  	_ = 	snop  }
0x29: {  	[tilespmem:s28], [sflag:$0x1] =	stream.indirect.gather [hbm4b:s3+s12], $0x1, s26, s12, $0xb8;
	[tilespmem:$0xC980] =	vst v63  }
0x2a: {  	_ = 	snop  }
0x2b: {  	[tilespmem:s30], [sflag:$0x1] =	stream.indirect.gather [hbm4b:s3+s12], $0x1, s29, s12, $0xb8;
	[tilespmem:$0xC980] =	vst v63  }
0x2c: {  	_ = 	snop  }
0x2d: {  	[tilespmem:s1], [sflag:$0x1] =	stream.indirect.gather [hbm4b:s3+s12], $0x1, s31, s12, $0xb8;
	[tilespmem:$0xC980] =	vst v63  }
0x2e: {  	p0 =	por $0x0, $0x0  }
0x2f: {  	[tilespmem:s8], [sflag:$0x1] =	stream.indirect.gather [hbm4b:s3+s12], $0x1, s0, s12, $0xb8;
	[tilespmem:$0xC980] =	vst v63  }
0x30: {  	s15 =	simm.s32 @!p0 $0x100;
	s16 =	simm.s32 @!p0 $0x7000;
	s17 =	simm.s32 @!p0 $0xC00  }
0x31: {  	[tilespmem:s16], [sflag:$0x1] =	stream.indirect.gather @!p0 [hbm4b:s3+s15], $0x1, s17, s15, $0xb8;
	[tilespmem:$0xC980] =	vst v63  }
0x32: {  	s16 =	simm.s32 @!p0 $0x7100;
	s17 =	simm.s32 @!p0 $0xD00  }
0x33: {  	[tilespmem:s16], [sflag:$0x1] =	stream.indirect.gather @!p0 [hbm4b:s3+s15], $0x1, s17, s15, $0xb8;
	[tilespmem:$0xC980] =	vst v63  }
0x34: {  	s16 =	simm.s32 @!p0 $0x7200;
	s17 =	simm.s32 @!p0 $0xE00  }
0x35: {  	[tilespmem:s16], [sflag:$0x1] =	stream.indirect.gather @!p0 [hbm4b:s3+s15], $0x1, s17, s15, $0xb8;
	[tilespmem:$0xC980] =	vst v63  }
0x36: {  	s16 =	simm.s32 @!p0 $0x7300;
	s17 =	simm.s32 @!p0 $0xF00  }
0x37: {  	[tilespmem:s16], [sflag:$0x1] =	stream.indirect.gather @!p0 [hbm4b:s3+s15], $0x1, s17, s15, $0xb8;
	[tilespmem:$0xC980] =	vst v63  }
0x38: {  	_ =	swait.ge [sflag:s11], $0x100  }
0x39: {  	[sflag:s11] =	ssyncset.done $0x0  }
0x3a: {  	[sflag:s11] =	ssyncadd.s32 $0xFFFFFF00  }
0x3b: {  	_ =	swait.ge [sflag:s11], $0x100  }
0x3c: {  	[sflag:s11] =	ssyncset.done $0x0  }
0x3d: {  	[sflag:s11] =	ssyncadd.s32 $0xFFFFFF00  }
0x3e: {  	_ =	swait.ge [sflag:s11], $0x100  }
0x3f: {  	[sflag:s11] =	ssyncset.done $0x0  }
0x40: {  	s15 =	simm.s32 $0x2000;
	[sflag:s11] =	ssyncadd.s32 $0xFFFFFF00  }
0x41: {  	s16 =	simm.s32 $0x1;
	p0 =	por $0x0, $0x0;
	_ =	swait.ge [sflag:s11], $0x100  }
0x42: {  	s18 =	simm.s32 @!p0 $0x400;
	s17 =	simm.s32 @!p0 $0x100;
	[sflag:s11] =	ssyncset.done $0x0  }
.LBB2_2:
0x43: {  	s19 =	sadd.s32 @!p0 $0x7000, s18  }
0x44: {  	s20 =	sadd.s32 @!p0 $0xC00, s18;
	[sflag:s11] =	ssyncadd.s32 $0xFFFFFF00;
	s21 =	smov.u32 s15  }
0x45: {  	[tilespmem:s19], [sflag:$0x1] =	stream.indirect.gather @!p0 [hbm4b:s3+s17], $0x1, s20, s17, $0xb8;
	[tilespmem:$0xC980] =	vst v63  }
0x46: {  	s15 =	sadd.s32 $0x1000, s15;
	s19 =	sadd.s32 @!p0 $0x7100, s18;
	s20 =	sadd.s32 @!p0 $0xD00, s18  }
0x47: {  	[tilespmem:s19], [sflag:$0x1] =	stream.indirect.gather @!p0 [hbm4b:s3+s17], $0x1, s20, s17, $0xb8;
	[tilespmem:$0xC980] =	vst v63  }
0x48: {  	p1 =	sne.s32 s15, $0x19000;
	s19 =	sadd.s32 @!p0 $0x7200, s18;
	s20 =	sadd.s32 @!p0 $0xE00, s18  }
0x49: {  	[tilespmem:s19], [sflag:$0x1] =	stream.indirect.gather @!p0 [hbm4b:s3+s17], $0x1, s20, s17, $0xb8;
	[tilespmem:$0xC980] =	vst v63  }
0x4a: {  	s19 =	sadd.s32 @!p0 $0x7300, s18;
	s18 =	sadd.s32 @!p0 $0xF00, s18  }
0x4b: {  	[tilespmem:s19], [sflag:$0x1] =	stream.indirect.gather @!p0 [hbm4b:s3+s17], $0x1, s18, s17, $0xb8;
	[tilespmem:$0xC980] =	vst v63  }
0x4c: {  	_ =	swait.ge [sflag:s11], $0x100  }
0x4d: {  	[sflag:s11] =	ssyncset.done $0x0  }
0x4e: {  	[sflag:s11] =	ssyncadd.s32 $0xFFFFFF00  }
0x4f: {  	_ =	swait.ge [sflag:s11], $0x100  }
0x50: {  	[sflag:s11] =	ssyncset.done $0x0  }
0x51: {  	[sflag:s11] =	ssyncadd.s32 $0xFFFFFF00  }
.Ltmp0:
0x52: {  	_ =	swait.ge [sflag:s11], $0x100;
	(pc) =	sbr.rel @p1 .LBB2_2-.Ltmp0, $4  }
0x53: {  	[sflag:s11] =	ssyncset.done $0x0  }
0x54: {  	s16 =	sadd.s32 $0x1, s16;
	[sflag:s11] =	ssyncadd.s32 $0xFFFFFF00  }
0x55: {  	p0 =	sgt.u32 s16, $0x15;
	_ =	swait.ge [sflag:s11], $0x100  }
0x56: {  	s18 =	sshra.s32 @!p0 s21, $0x2;
	s17 =	simm.s32 @!p0 $0x100;
	[sflag:s11] =	ssyncset.done $0x0  }
0x57: {  	s15 =	sadd.s32 @!p0 $0x7000, s18;
	s16 =	sadd.s32 @!p0 $0xC00, s18;
	[sflag:s11] =	ssyncadd.s32 $0xFFFFFF00  }
0x58: {  	[tilespmem:s15], [sflag:$0x1] =	stream.indirect.gather @!p0 [hbm4b:s3+s17], $0x1, s16, s17, $0xb8;
	[tilespmem:$0xC980] =	vst v63  }
0x59: {  	s15 =	sadd.s32 @!p0 $0x7100, s18;
	s16 =	sadd.s32 @!p0 $0xD00, s18  }
0x5a: {  	[tilespmem:s15], [sflag:$0x1] =	stream.indirect.gather @!p0 [hbm4b:s3+s17], $0x1, s16, s17, $0xb8;
	[tilespmem:$0xC980] =	vst v63  }
0x5b: {  	s15 =	sadd.s32 @!p0 $0x7200, s18;
	s16 =	sadd.s32 @!p0 $0xE00, s18  }
0x5c: {  	[tilespmem:s15], [sflag:$0x1] =	stream.indirect.gather @!p0 [hbm4b:s3+s17], $0x1, s16, s17, $0xb8;
	[tilespmem:$0xC980] =	vst v63  }
0x5d: {  	s15 =	sadd.s32 @!p0 $0x7300, s18;
	s16 =	sadd.s32 @!p0 $0xF00, s18  }
0x5e: {  	[tilespmem:s15], [sflag:$0x1] =	stream.indirect.gather @!p0 [hbm4b:s3+s17], $0x1, s16, s17, $0xb8;
	[tilespmem:$0xC980] =	vst v63  }
0x5f: {  	_ =	swait.ge [sflag:s11], $0x100  }
0x60: {  	[sflag:s11] =	ssyncset.done $0x0  }
0x61: {  	[sflag:s11] =	ssyncadd.s32 $0xFFFFFF00  }
0x62: {  	_ =	swait.ge [sflag:s11], $0x100  }
0x63: {  	[sflag:s11] =	ssyncset.done $0x0  }
0x64: {  	[sflag:s11] =	ssyncadd.s32 $0xFFFFFF00  }
0x65: {  	_ =	swait.ge [sflag:s11], $0x100  }
0x66: {  	[sflag:s11] =	ssyncset.done $0x0  }
0x67: {  	[sflag:s11] =	ssyncadd.s32 $0xFFFFFF00  }
0x68: {  	_ =	swait.ge [sflag:s11], $0x100  }
0x69: {  	[sflag:s11] =	ssyncset.done $0x0  }
0x6a: {  	s21 =	simm.s32 $0x0;
	[sflag:s11] =	ssyncadd.s32 $0xFFFFFF00  }
0x6b: {  	v0 =	vld [tilespmem:s21+$0x64F0]  }
0x6c: {  	v1 =	vld [tilespmem:s21+$0x6400]  }
0x6d: {  	v2 =	vld [tilespmem:s21+$0x6410]  }
0x6e: {  	v4 =	vld [tilespmem:s21+$0x6420]  }
0x6f: {  	v5 =	vld [tilespmem:s21+$0x6430]  }
0x70: {  	v6 =	vld [tilespmem:s21+$0x6440]  }
0x71: {  	v7 =	vld [tilespmem:s21+$0x6450]  }
0x72: {  	v8 =	vld [tilespmem:s21+$0x6460]  }
0x73: {  	v9 =	vld [tilespmem:s21+$0x6470]  }
0x74: {  	v3 =	vimm.f32 $0.0e+00;
	v10 =	vld [tilespmem:s21+$0x6480]  }
0x75: {  	v22 =	vld [tilespmem:s21+$0x6490];
	v0 =	vadd.f32 v0, v3  }
0x76: {  	v21 =	vadd.f32 v1, v3;
	v20 =	vadd.f32 v2, v3  }
0x77: {  	v14 =	vld [tilespmem:s21+$0x64A0];
	v12 =	vadd.f32 v4, v3;
	v15 =	vadd.f32 v5, v3  }
0x78: {  	v11 =	vld [tilespmem:s21+$0x64B0];
	v19 =	vadd.f32 v6, v3;
	v18 =	vadd.f32 v7, v3  }
0x79: {  	v17 =	vadd.f32 v8, v3;
	v16 =	vadd.f32 v9, v3;
	v9 =	vld [tilespmem:s21+$0x64C0]  }
0x7a: {  	v13 =	vadd.f32 v10, v3;
	v7 =	vld [tilespmem:s21+$0x64D0];
	v10 =	vadd.f32 v22, v3;
	v5 =	vimm.f32 $0.0e+00  }
0x7b: {  	s15 =	simm.s32 $0x100;
	s16 =	simm.s32 $0x800;
	v6 =	vld [tilespmem:s21+$0x64E0];
	v4 =	vimm.f32 $0.0e+00;
	v2 =	vimm.f32 $0.0e+00;
	v1 =	vimm.f32 $0.0e+00  }
.LBB2_4:
0x7c: {  	p0 =	sne.s32 s16, $0x18C00;
	v8 =	vld [tilespmem:s15+$0x64F0];
	v3 =	vadd.f32 v14, v3  }
0x7d: {  	v14 =	vld [tilespmem:s15+$0x6400];
	v5 =	vadd.f32 v11, v5  }
0x7e: {  	v11 =	vld [tilespmem:s15+$0x6410];
	v4 =	vadd.f32 v9, v4  }
0x7f: {  	v9 =	vld [tilespmem:s15+$0x6420];
	v2 =	vadd.f32 v7, v2  }
0x80: {  	v7 =	vld [tilespmem:s15+$0x6430];
	v1 =	vadd.f32 v6, v1  }
0x81: {  	v6 =	vld [tilespmem:s15+$0x6440];
	v0 =	vadd.f32 v8, v0  }
0x82: {  	v21 =	vadd.f32 v14, v21;
	v8 =	vld [tilespmem:s15+$0x6450]  }
0x83: {  	v20 =	vadd.f32 v11, v20;
	v11 =	vld [tilespmem:s15+$0x6460]  }
0x84: {  	v12 =	vadd.f32 v9, v12;
	v9 =	vld [tilespmem:s15+$0x6470]  }
0x85: {  	v15 =	vadd.f32 v7, v15;
	v7 =	vld [tilespmem:s15+$0x6480]  }
0x86: {  	v19 =	vadd.f32 v6, v19;
	v6 =	vld [tilespmem:s15+$0x6490]  }
.Ltmp1:
0x87: {  	v18 =	vadd.f32 v8, v18;
	v14 =	vld [tilespmem:s15+$0x64A0];
	(pc) =	sbr.rel @p0 .LBB2_4-.Ltmp1, $4  }
0x88: {  	v17 =	vadd.f32 v11, v17;
	v11 =	vld [tilespmem:s15+$0x64B0]  }
0x89: {  	v16 =	vadd.f32 v9, v16;
	v9 =	vld [tilespmem:s15+$0x64C0]  }
0x8a: {  	v13 =	vadd.f32 v7, v13;
	v7 =	vld [tilespmem:s15+$0x64D0]  }
0x8b: {  	v10 =	vadd.f32 v6, v10;
	v6 =	vld [tilespmem:s15+$0x64E0];
	s15 =	sshra.s32 s16, $0x2;
	s16 =	sadd.s32 $0x400, s16  }
0x8c: {  	v22 =	vld [tilespmem:s15+$0x6400];
	_ =	sdelay $0x1  }
0x8d: {  	v8 =	vld [tilespmem:$0xC900];
	_ =	sdelay $0x2  }
0x8e: {  	v21 =	vadd.f32 v22, v21;
	_ =	sdelay $0x1  }
0x8f: {  	v21 =	vadd.f32 v8, v21;
	_ =	sdelay $0x1  }
0x90: {  	v21 =	vsub.f32 $0.0e+00, v21;
	_ =	sdelay $0x1  }
0x91: {  	v21 =	vmul.f32 $1.442695020e+00, v21;
	_ =	sdelay $0x1  }
0x92: {  	v55 =	vld [tilespmem:s15+$0x6410];
	(erf) = vpow2.f32 v21;
	_ =	sdelay $0x4  }
0x93: {  	v20 =	vadd.f32 v55, v20;
	_ =	sdelay $0x1  }
0x94: {  	v20 =	vadd.f32 v8, v20;
	_ =	sdelay $0x1  }
0x95: {  	v20 =	vsub.f32 $0.0e+00, v20;
	v56 =	vpop (erf)  }
0x96: {  	v21 =	vadd.f32 $1.000000000e+00, v56  }
0x97: {  	v20 =	vmul.f32 $1.442695020e+00, v20  }
0x98: {  	v57 =	vld [tilespmem:s15+$0x6420];
	(erf) = vrcp.f32 v21  }
0x99: {  	(erf) = vpow2.f32 v20;
	_ =	sdelay $0x3  }
0x9a: {  	v12 =	vadd.f32 v57, v12;
	_ =	sdelay $0x2  }
0x9b: {  	v58 =	vadd.f32 v8, v12  }
0x9c: {  	v12 =	vpop (erf)  }
0x9d: {  	v20 =	vsub.f32 $0.0e+00, v58;
	v59 =	vpop (erf)  }
0x9e: {  	v21 =	vadd.f32 $1.000000000e+00, v59  }
0x9f: {  	v20 =	vmul.f32 $1.442695020e+00, v20  }
0xa0: {  	v60 =	vld [tilespmem:s15+$0x6430];
	(erf) = vrcp.f32 v21  }
0xa1: {  	(erf) = vpow2.f32 v20;
	_ =	sdelay $0x3  }
0xa2: {  	v15 =	vadd.f32 v60, v15;
	_ =	sdelay $0x2  }
0xa3: {  	v61 =	vadd.f32 v8, v15  }
0xa4: {  	v15 =	vpop (erf)  }
0xa5: {  	v20 =	vsub.f32 $0.0e+00, v61;
	v62 =	vpop (erf)  }
0xa6: {  	v21 =	vadd.f32 $1.000000000e+00, v62  }
0xa7: {  	v20 =	vmul.f32 $1.442695020e+00, v20  }
0xa8: {  	(erf) = vrcp.f32 v21  }
0xa9: {  	v63 =	vld [tilespmem:s15+$0x6440];
	(erf) = vpow2.f32 v20;
	_ =	sdelay $0x4  }
0xaa: {  	v19 =	vadd.f32 v63, v19;
	_ =	sdelay $0x1  }
0xab: {  	v19 =	vadd.f32 v8, v19  }
0xac: {  	v24 =	vpop (erf)  }
0xad: {  	v19 =	vsub.f32 $0.0e+00, v19;
	v25 =	vpop (erf)  }
0xae: {  	v21 =	vadd.f32 $1.000000000e+00, v25  }
0xaf: {  	v19 =	vmul.f32 $1.442695020e+00, v19  }
0xb0: {  	(erf) = vrcp.f32 v21  }
0xb1: {  	v26 =	vld [tilespmem:s15+$0x6450];
	(erf) = vpow2.f32 v19;
	_ =	sdelay $0x4  }
0xb2: {  	v18 =	vadd.f32 v26, v18;
	_ =	sdelay $0x1  }
0xb3: {  	v18 =	vadd.f32 v8, v18  }
0xb4: {  	v27 =	vpop (erf)  }
0xb5: {  	v18 =	vsub.f32 $0.0e+00, v18;
	v28 =	vpop (erf)  }
0xb6: {  	v21 =	vadd.f32 $1.000000000e+00, v28  }
0xb7: {  	v18 =	vmul.f32 $1.442695020e+00, v18  }
0xb8: {  	(erf) = vrcp.f32 v21  }
0xb9: {  	v29 =	vld [tilespmem:s15+$0x6460];
	(erf) = vpow2.f32 v18;
	_ =	sdelay $0x4  }
0xba: {  	v17 =	vadd.f32 v29, v17;
	_ =	sdelay $0x1  }
0xbb: {  	v17 =	vadd.f32 v8, v17  }
0xbc: {  	v30 =	vpop (erf)  }
0xbd: {  	v17 =	vsub.f32 $0.0e+00, v17;
	v31 =	vpop (erf)  }
0xbe: {  	v21 =	vadd.f32 $1.000000000e+00, v31  }
0xbf: {  	v17 =	vmul.f32 $1.442695020e+00, v17  }
0xc0: {  	(erf) = vrcp.f32 v21  }
0xc1: {  	v32 =	vld [tilespmem:s15+$0x6470];
	(erf) = vpow2.f32 v17;
	_ =	sdelay $0x4  }
0xc2: {  	v16 =	vadd.f32 v32, v16;
	_ =	sdelay $0x1  }
0xc3: {  	v16 =	vadd.f32 v8, v16  }
0xc4: {  	v33 =	vpop (erf)  }
0xc5: {  	v16 =	vsub.f32 $0.0e+00, v16;
	v34 =	vpop (erf)  }
0xc6: {  	v21 =	vadd.f32 $1.000000000e+00, v34  }
0xc7: {  	v16 =	vmul.f32 $1.442695020e+00, v16  }
0xc8: {  	(erf) = vrcp.f32 v21  }
0xc9: {  	v35 =	vld [tilespmem:s15+$0x6480];
	(erf) = vpow2.f32 v16;
	_ =	sdelay $0x4  }
0xca: {  	v13 =	vadd.f32 v35, v13;
	_ =	sdelay $0x1  }
0xcb: {  	v13 =	vadd.f32 v8, v13  }
0xcc: {  	v36 =	vpop (erf)  }
0xcd: {  	v13 =	vsub.f32 $0.0e+00, v13;
	v37 =	vpop (erf)  }
0xce: {  	v21 =	vadd.f32 $1.000000000e+00, v37  }
0xcf: {  	v13 =	vmul.f32 $1.442695020e+00, v13  }
0xd0: {  	(erf) = vrcp.f32 v21  }
0xd1: {  	v38 =	vld [tilespmem:s15+$0x6490];
	(erf) = vpow2.f32 v13;
	_ =	sdelay $0x4  }
0xd2: {  	v10 =	vadd.f32 v38, v10;
	_ =	sdelay $0x1  }
0xd3: {  	v10 =	vadd.f32 v8, v10  }
0xd4: {  	v39 =	vpop (erf)  }
0xd5: {  	v10 =	vsub.f32 $0.0e+00, v10;
	v40 =	vpop (erf)  }
0xd6: {  	v21 =	vadd.f32 $1.000000000e+00, v40  }
0xd7: {  	v10 =	vmul.f32 $1.442695020e+00, v10  }
0xd8: {  	(erf) = vrcp.f32 v21  }
0xd9: {  	v41 =	vld [tilespmem:s15+$0x64A0];
	(erf) = vpow2.f32 v10;
	_ =	sdelay $0x2  }
0xda: {  	v3 =	vadd.f32 v14, v3;
	_ =	sdelay $0x1  }
0xdb: {  	v3 =	vadd.f32 v41, v3;
	_ =	sdelay $0x1  }
0xdc: {  	v3 =	vadd.f32 v8, v3  }
0xdd: {  	v42 =	vpop (erf)  }
0xde: {  	v3 =	vsub.f32 $0.0e+00, v3;
	v43 =	vpop (erf)  }
0xdf: {  	v14 =	vadd.f32 $1.000000000e+00, v43  }
0xe0: {  	v3 =	vmul.f32 $1.442695020e+00, v3  }
0xe1: {  	(erf) = vrcp.f32 v14  }
0xe2: {  	v44 =	vld [tilespmem:s15+$0x64B0];
	(erf) = vpow2.f32 v3;
	_ =	sdelay $0x2  }
0xe3: {  	v45 =	vadd.f32 v11, v5;
	_ =	sdelay $0x1  }
0xe4: {  	v3 =	vadd.f32 v44, v45;
	_ =	sdelay $0x1  }
0xe5: {  	v3 =	vadd.f32 v8, v3  }
0xe6: {  	v46 =	vpop (erf)  }
0xe7: {  	v3 =	vsub.f32 $0.0e+00, v3;
	v47 =	vpop (erf)  }
0xe8: {  	v11 =	vadd.f32 $1.000000000e+00, v47  }
0xe9: {  	v3 =	vmul.f32 $1.442695020e+00, v3  }
0xea: {  	(erf) = vrcp.f32 v11  }
0xeb: {  	v48 =	vld [tilespmem:s15+$0x64C0];
	(erf) = vpow2.f32 v3;
	_ =	sdelay $0x2  }
0xec: {  	v49 =	vadd.f32 v9, v4;
	_ =	sdelay $0x1  }
0xed: {  	v3 =	vadd.f32 v48, v49;
	_ =	sdelay $0x1  }
0xee: {  	v3 =	vadd.f32 v8, v3  }
0xef: {  	v50 =	vpop (erf)  }
0xf0: {  	v3 =	vsub.f32 $0.0e+00, v3;
	v51 =	vpop (erf)  }
0xf1: {  	v9 =	vadd.f32 $1.000000000e+00, v51  }
0xf2: {  	v3 =	vmul.f32 $1.442695020e+00, v3  }
0xf3: {  	(erf) = vrcp.f32 v9  }
0xf4: {  	v52 =	vld [tilespmem:s15+$0x64D0];
	(erf) = vpow2.f32 v3;
	_ =	sdelay $0x2  }
0xf5: {  	v2 =	vadd.f32 v7, v2;
	_ =	sdelay $0x1  }
0xf6: {  	v2 =	vadd.f32 v52, v2;
	_ =	sdelay $0x1  }
0xf7: {  	v2 =	vadd.f32 v8, v2  }
0xf8: {  	v53 =	vpop (erf)  }
0xf9: {  	v2 =	vsub.f32 $0.0e+00, v2;
	v54 =	vpop (erf)  }
0xfa: {  	v7 =	vadd.f32 $1.000000000e+00, v54  }
0xfb: {  	v2 =	vmul.f32 $1.442695020e+00, v2  }
0xfc: {  	(erf) = vrcp.f32 v7  }
0xfd: {  	v55 =	vld [tilespmem:s15+$0x64E0];
	(erf) = vpow2.f32 v2;
	_ =	sdelay $0x2  }
0xfe: {  	v1 =	vadd.f32 v6, v1;
	_ =	sdelay $0x1  }
0xff: {  	v1 =	vadd.f32 v55, v1;
	_ =	sdelay $0x1  }
0x100: {  	v1 =	vadd.f32 v8, v1  }
0x101: {  	v56 =	vpop (erf)  }
0x102: {  	v1 =	vsub.f32 $0.0e+00, v1;
	v57 =	vpop (erf)  }
0x103: {  	v6 =	vadd.f32 $1.000000000e+00, v57  }
0x104: {  	v1 =	vmul.f32 $1.442695020e+00, v1  }
0x105: {  	(erf) = vrcp.f32 v6  }
0x106: {  	v58 =	vld [tilespmem:s15+$0x64F0];
	(erf) = vpow2.f32 v1;
	_ =	sdelay $0x4  }
0x107: {  	v0 =	vadd.f32 v58, v0;
	_ =	sdelay $0x1  }
0x108: {  	v0 =	vadd.f32 v8, v0  }
0x109: {  	v59 =	vpop (erf)  }
0x10a: {  	v0 =	vsub.f32 $0.0e+00, v0;
	v60 =	vpop (erf)  }
0x10b: {  	v6 =	vadd.f32 $1.000000000e+00, v60  }
0x10c: {  	v0 =	vmul.f32 $1.442695020e+00, v0  }
0x10d: {  	(erf) = vrcp.f32 v6  }
0x10e: {  	(erf) = vpow2.f32 v0;
	_ =	sdelay $0x6  }
0x10f: {  	[tilespmem:$0xC800] =	vst v12  }
0x110: {  	[tilespmem:$0xC810] =	vst v15;
	v61 =	vpop (erf)  }
0x111: {  	[tilespmem:$0xC820] =	vst v24;
	v62 =	vpop (erf)  }
0x112: {  	[tilespmem:$0xC830] =	vst v27;
	v6 =	vadd.f32 $1.000000000e+00, v62  }
0x113: {  	[tilespmem:$0xC840] =	vst v30  }
0x114: {  	[tilespmem:$0xC850] =	vst v33;
	(erf) = vrcp.f32 v6  }
0x115: {  	[tilespmem:$0xC860] =	vst v36  }
0x116: {  	[tilespmem:$0xC870] =	vst v39  }
0x117: {  	[tilespmem:$0xC880] =	vst v42  }
0x118: {  	[tilespmem:$0xC890] =	vst v46  }
0x119: {  	[tilespmem:$0xC8A0] =	vst v50  }
0x11a: {  	[tilespmem:$0xC8B0] =	vst v53  }
0x11b: {  	[tilespmem:$0xC8C0] =	vst v56  }
0x11c: {  	s14 =	sadd.s32 $0x1, s14;
	[tilespmem:$0xC8D0] =	vst v59  }
0x11d: {  	p0 =	sne.s32 s14, s7;
	[tilespmem:$0xC8E0] =	vst v61;
	v63 =	vpop (erf)  }
.Ltmp2:
0x11e: {  	[tilespmem:$0xC8F0] =	vst v63;
	(pc) =	sbr.rel @p0 .LBB2_1-.Ltmp2, $4  }
0x11f: {  	[hbm4b:s6+s2] =	stream.linear.scatter [tilespmem:s13], [sflag:$0x2], $0x100, $0x38;
	[tilespmem:$0xC980] =	vst v63  }
0x120: {  	_ =	swait.ge [sflag:s10], $0x100  }
0x121: {  	[sflag:s10] =	ssyncset.done $0x0  }
0x122: {  	[sflag:s10] =	ssyncadd.s32 $0xFFFFFF00  }
0x123: {  	_ =	sfence.sel $0x180000  }
0x124: {  	[bflag:$0x0] =	sbarrier.arrive $0xFFFF  }
0x125: {  	_ =	strace $0x90000047  }
0x126: {  	s0 =	stileid.u32;
	[bflag:$0x2] =	sbarrier.arrive $0xFFFF  }
0x127: {  	p0 =	sne.s32 s0, $0x0;
	s0 =	rddreg [dreg:$0x2]  }
0x128: {  	s0 =	sadd.s32 @!p0 $0x100000, s0  }
0x129: {  	[sflag:s0] =	ssyncadd.tile.s32 @!p0 $0x1;
	_ =	shalt  }
.Lfunc_end2:
_tile_overlayer_lowered:
.L_overlay_start_2:
0x12a: {  	(tag) =	ssettag $0x2  }
0x12b: {  	s0 =	rddreg [dreg:$0x0];
	s2 =	stileid.u32  }
0x12c: {  	s1 =	rddreg [dreg:$0x1];
	p0 =	sne.s32 s2, $0x0  }
0x12d: {  	s3 =	rddreg [dreg:$0x2];
	[bflag:$0x3] =	sbarrier.arrive $0xFFFF;
	s2 =	simm.s32 @!p0 $0x1C02  }
0x12e: {  	[timem:s3], [sflag:s2] =	dma.local @!p0 [hbm:s0], s1  }
0x12f: {  	s0 =	simm.s32 @!p0 $0x2  }
0x130: {  	_ =	swait.ge @!p0 [sflag:s0], s1  }
0x131: {  	s1 =	ssub.s32 @!p0 $0x0, s1;
	[sflag:s0] =	ssyncset.done @!p0 $0x0  }
0x132: {  	[sflag:s0] =	ssyncadd.s32 @!p0 s1  }
0x133: {  	[bflag:$0x3] =	sbarrier.arrive $0xFFFF  }
0x134: {  	_ =	shalt  }

</sc_bundles>
